<compile_context>
chip_gen: v7x
topology: tpu7x:2x2x1
jax: 0.10.2.dev20260603
libtpu: 0.0.44.dev20260713+nightly
codegen_flags: <defaults>
</compile_context>

<pallas_src>
import functools

import jax
import jax.numpy as jnp
import numpy as np
from jax import lax
from jax.experimental import pallas as pl
from jax.experimental.pallas import tpu as pltpu
from jax.experimental.pallas import tpu_sc as plsc

N = 10000
E = 320000
D = 128
H = 4
DH = 32
DS = 16
HID = 64

NC = 2
NS = 16
NW = NC * NS
EPW = E // NW
EPC = E // NC
CH = 80
G_ITERS = EPW // CH
NP = 10240
NPT = NP // NS

_mesh = plsc.VectorSubcoreMesh(core_axis_name="c", subcore_axis_name="s",
                               num_cores=NC, num_subcores=NS)


def _nodeproj_body(x_ref, w_ref, b_ref, tsrc_ref, tdst_ref, tq_ref):
    p = jnp.dot(x_ref[...], w_ref[...], preferred_element_type=jnp.float32)
    p = p + b_ref[...]
    tsrc_ref[...] = p[:, :D]
    tdst_ref[...] = p[:, D:2 * D]
    tq_ref[...] = p[:, 2 * D:]


def _node_projections(x, w_cat, b_cat):
    blk = 400
    grid = N // blk
    return pl.pallas_call(
        _nodeproj_body,
        grid=(grid,),
        in_specs=[
            pl.BlockSpec((blk, D), lambda i: (i, 0)),
            pl.BlockSpec((D, 3 * D), lambda i: (0, 0)),
            pl.BlockSpec((1, 3 * D), lambda i: (0, 0)),
        ],
        out_specs=[
            pl.BlockSpec((blk, D), lambda i: (i, 0)),
            pl.BlockSpec((blk, D), lambda i: (i, 0)),
            pl.BlockSpec((blk, D), lambda i: (i, 0)),
        ],
        out_shape=[
            jax.ShapeDtypeStruct((N, D), jnp.float32),
            jax.ShapeDtypeStruct((N, D), jnp.float32),
            jax.ShapeDtypeStruct((N, D), jnp.float32),
        ],
    )(x, w_cat, b_cat)


@functools.partial(
    pl.kernel,
    mesh=_mesh,
    out_type=(
        jax.ShapeDtypeStruct((E, D), jnp.float32),
        jax.ShapeDtypeStruct((E, D), jnp.float32),
        jax.ShapeDtypeStruct((E, D), jnp.float32),
    ),
    scratch_types=[
        pltpu.VMEM((CH,), jnp.int32),
        pltpu.VMEM((CH,), jnp.int32),
        pltpu.VMEM((CH, D), jnp.float32),
        pltpu.VMEM((CH, D), jnp.float32),
        pltpu.VMEM((CH, D), jnp.float32),
        pltpu.SemaphoreType.DMA,
    ],
)
def _gather_kernel(tsrc_hbm, tdst_hbm, tq_hbm, esrc_hbm, edst_hbm,
                   gsrc_hbm, gdst_hbm, gq_hbm,
                   idxs_v, idxd_v, rows_s, rows_d, rows_q, sem):
    wid = lax.axis_index("s") * NC + lax.axis_index("c")
    base = wid * EPW

    def body(i, carry):
        off = base + i * CH
        pltpu.sync_copy(esrc_hbm.at[pl.ds(off, CH)], idxs_v)
        pltpu.sync_copy(edst_hbm.at[pl.ds(off, CH)], idxd_v)
        cp_s = pltpu.async_copy(tsrc_hbm.at[idxs_v], rows_s, sem)
        cp_d = pltpu.async_copy(tdst_hbm.at[idxd_v], rows_d, sem)
        cp_q = pltpu.async_copy(tq_hbm.at[idxd_v], rows_q, sem)
        cp_s.wait()
        cp_d.wait()
        cp_q.wait()
        pltpu.sync_copy(rows_s, gsrc_hbm.at[pl.ds(off, CH)])
        pltpu.sync_copy(rows_d, gdst_hbm.at[pl.ds(off, CH)])
        pltpu.sync_copy(rows_q, gq_hbm.at[pl.ds(off, CH)])
        return carry

    lax.fori_loop(0, G_ITERS, body, 0)


def _edge_body(gsrc_ref, gdst_ref, gq_ref, escal_ref, eattr_ref,
               w1_ref, b1_ref, w2_ref, b2_ref, w3_ref,
               wkv_ref, bkv_ref, sel_ref,
               wv_ref, wb_ref):
    x = gsrc_ref[...] + gdst_ref[...]
    q = gq_ref[...]
    h = escal_ref[...] @ w1_ref[...] + b1_ref[...]
    h = h * jax.nn.sigmoid(h)
    h = h @ w2_ref[...] + b2_ref[...]
    h = h * jax.nn.sigmoid(h)
    dtp = jnp.dot(h, w3_ref[...], preferred_element_type=jnp.float32)
    kvp = x * eattr_ref[...] * dtp
    kv = jnp.dot(kvp, wkv_ref[...], preferred_element_type=jnp.float32)
    kv = kv + bkv_ref[...]
    k = kv[:, :D]
    v = kv[:, D:]
    qk = q * k
    alpha = jnp.dot(qk, sel_ref[...], preferred_element_type=jnp.float32)
    w4 = jnp.exp(alpha)
    wb = jnp.dot(w4, sel_ref[...].T,
                 preferred_element_type=jnp.float32)
    wv_ref[...] = v * wb
    wb_ref[...] = wb


def _edge_pipeline(gsrc, gdst, gq, escal, eattr, w1, b1, w2, b2, w3, wkv, bkv,
                   sel):
    blk = 512
    grid = E // blk
    return pl.pallas_call(
        _edge_body,
        grid=(grid,),
        in_specs=[
            pl.BlockSpec((blk, D), lambda i: (i, 0)),
            pl.BlockSpec((blk, D), lambda i: (i, 0)),
            pl.BlockSpec((blk, D), lambda i: (i, 0)),
            pl.BlockSpec((blk, DS), lambda i: (i, 0)),
            pl.BlockSpec((blk, 1), lambda i: (i, 0)),
            pl.BlockSpec((DS, HID), lambda i: (0, 0)),
            pl.BlockSpec((1, HID), lambda i: (0, 0)),
            pl.BlockSpec((HID, HID), lambda i: (0, 0)),
            pl.BlockSpec((1, HID), lambda i: (0, 0)),
            pl.BlockSpec((HID, D), lambda i: (0, 0)),
            pl.BlockSpec((D, 2 * D), lambda i: (0, 0)),
            pl.BlockSpec((1, 2 * D), lambda i: (0, 0)),
            pl.BlockSpec((D, H), lambda i: (0, 0)),
        ],
        out_specs=[
            pl.BlockSpec((blk, D), lambda i: (i, 0)),
            pl.BlockSpec((blk, D), lambda i: (i, 0)),
        ],
        out_shape=[
            jax.ShapeDtypeStruct((E, D), jnp.float32),
            jax.ShapeDtypeStruct((E, D), jnp.float32),
        ],
    )(gsrc, gdst, gq, escal, eattr, w1, b1, w2, b2, w3, wkv, bkv, sel)


@functools.partial(
    pl.kernel,
    mesh=_mesh,
    out_type=(
        jax.ShapeDtypeStruct((NC * NP, D), jnp.float32),
        jax.ShapeDtypeStruct((NC * NP, D), jnp.float32),
    ),
    scratch_types=[
        pltpu.VMEM((CH, D), jnp.float32),
        pltpu.VMEM((CH,), jnp.int32),
        pltpu.VMEM_SHARED((NP, D), jnp.float32),
    ],
)
def _scatter_kernel(wv_hbm, wb_hbm, edst_hbm, onum_hbm, oden_hbm,
                    pay_v, idx_v, stab):
    cid = lax.axis_index("c")
    sid = lax.axis_index("s")
    base = cid * EPC + sid * EPW

    def one_phase(pay_hbm, out_hbm):
        def zrow(i, carry):
            for j in range(D // 16):
                pay_v[i, pl.ds(j * 16, 16)] = jnp.zeros((16,), jnp.float32)
            return carry

        lax.fori_loop(0, CH, zrow, 0)

        def zcopy(j, carry):
            pltpu.sync_copy(pay_v, stab.at[pl.ds(sid * NPT + j * CH, CH)])
            return carry

        lax.fori_loop(0, NPT // CH, zcopy, 0)
        plsc.subcore_barrier()

        def body(i, carry):
            off = base + i * CH
            pltpu.sync_copy(edst_hbm.at[pl.ds(off, CH)], idx_v)
            pltpu.sync_copy(pay_hbm.at[pl.ds(off, CH)], pay_v)
            pltpu.sync_copy(pay_v, stab.at[idx_v], add=True)
            return carry

        lax.fori_loop(0, EPW // CH, body, 0)
        plsc.subcore_barrier()

        pltpu.sync_copy(stab.at[pl.ds(sid * NPT, NPT)],
                        out_hbm.at[pl.ds(cid * NP + sid * NPT, NPT)])
        plsc.subcore_barrier()

    one_phase(wv_hbm, onum_hbm)
    one_phase(wb_hbm, oden_hbm)


def _combine_body(num0_ref, num1_ref, den0_ref, den1_ref,
                  wproj_ref, bproj_ref, out_ref):
    den = den0_ref[...] + den1_ref[...]
    o = (num0_ref[...] + num1_ref[...]) / (den + 1e-16)
    out_ref[...] = jnp.dot(o, wproj_ref[...],
                           preferred_element_type=jnp.float32) + bproj_ref[...]


def _combine(num, den, wproj, bproj):
    blk = 80
    grid = N // blk
    nb = NP // blk
    return pl.pallas_call(
        _combine_body,
        grid=(grid,),
        in_specs=[
            pl.BlockSpec((blk, D), lambda i: (i, 0)),
            pl.BlockSpec((blk, D), lambda i: (i + nb, 0)),
            pl.BlockSpec((blk, D), lambda i: (i, 0)),
            pl.BlockSpec((blk, D), lambda i: (i + nb, 0)),
            pl.BlockSpec((D, D), lambda i: (0, 0)),
            pl.BlockSpec((1, D), lambda i: (0, 0)),
        ],
        out_specs=pl.BlockSpec((blk, D), lambda i: (i, 0)),
        out_shape=jax.ShapeDtypeStruct((N, D), jnp.float32),
    )(num, num, den, den, wproj, bproj)


def kernel(node_input, node_attr, edge_src, edge_dst, edge_attr, edge_scalars,
           batch, W_q, b_q, W_src, b_src, W_dst, W_fc1, b_fc1, W_fc2, b_fc2,
           W_fc3, W_kv, b_kv, W_proj, b_proj):
    scale = np.float32(1.0 / np.sqrt(DH))
    w_cat = jnp.concatenate([W_src, W_dst, W_q * scale], axis=1)
    b_cat = jnp.concatenate(
        [b_src, jnp.zeros((D,), jnp.float32), b_q * scale])[None, :]
    sel = jnp.repeat(jnp.eye(H, dtype=jnp.float32), DH, axis=0)

    tsrc, tdst, tq = _node_projections(node_input, w_cat, b_cat)
    gsrc, gdst, gq = _gather_kernel(tsrc, tdst, tq, edge_src, edge_dst)
    wv, wb = _edge_pipeline(
        gsrc, gdst, gq, edge_scalars, edge_attr,
        W_fc1, b_fc1[None, :], W_fc2, b_fc2[None, :], W_fc3,
        W_kv, b_kv[None, :], sel)
    num, den = _scatter_kernel(wv, wb, edge_dst)
    return _combine(num, den, W_proj, b_proj[None, :])

# --- scband reference (transcript-rebuilt; emitter-appended) ---
"""Pipeline reference for scband-dot-product-attention-16183436771978 (READ-ONLY COPY).

The authoritative reference and input builder live on the scoring server;
editing this copy changes nothing except your own understanding.
"""

import jax, jax.numpy as jnp
import numpy as np

N = 10000
E = 320000
D = 128
H = 4
DH = 32
DS = 16
HID = 64

def setup_inputs(seed: int = 0):
    key = jax.random.key(seed)
    ks = jax.random.split(key, 18)
    def w(k, shape):
        return jax.random.normal(k, shape, dtype=jnp.float32) / np.sqrt(shape[0])
    inp = {}
    inp['node_input'] = jax.random.normal(ks[0], (N, D), dtype=jnp.float32)
    inp['node_attr'] = jnp.ones((N, 1), dtype=jnp.float32)
    inp['edge_src'] = jax.random.randint(ks[1], (E,), 0, N, dtype=jnp.int32)
    inp['edge_dst'] = jnp.sort(jax.random.randint(ks[2], (E,), 0, N, dtype=jnp.int32))
    inp['edge_attr'] = jax.random.normal(ks[3], (E, 1), dtype=jnp.float32)
    inp['edge_scalars'] = jax.random.normal(ks[4], (E, DS), dtype=jnp.float32)
    inp['batch'] = jnp.zeros((N,), dtype=jnp.int32)
    inp['W_q'] = w(ks[5], (D, H * DH))
    inp['b_q'] = jnp.zeros((H * DH,), dtype=jnp.float32)
    inp['W_src'] = w(ks[6], (D, D))
    inp['b_src'] = jnp.zeros((D,), dtype=jnp.float32)
    inp['W_dst'] = w(ks[7], (D, D))
    inp['W_fc1'] = w(ks[8], (DS, HID))
    inp['b_fc1'] = jnp.zeros((HID,), dtype=jnp.float32)
    inp['W_fc2'] = w(ks[9], (HID, HID))
    inp['b_fc2'] = jnp.zeros((HID,), dtype=jnp.float32)
    inp['W_fc3'] = w(ks[10], (HID, D))
    inp['W_kv'] = w(ks[11], (D, 2 * H * DH))
    inp['b_kv'] = jnp.zeros((2 * H * DH,), dtype=jnp.float32)
    inp['W_proj'] = w(ks[12], (H * DH, D))
    inp['b_proj'] = jnp.zeros((D,), dtype=jnp.float32)
    return inp

def reference(node_input, node_attr, edge_src, edge_dst, edge_attr, edge_scalars, batch,
              W_q, b_q, W_src, b_src, W_dst, W_fc1, b_fc1, W_fc2, b_fc2, W_fc3,
              W_kv, b_kv, W_proj, b_proj):
    n = node_input.shape[0]
    # query projection + vec2heads + ScaleFactor (all-scalar irreps: 1/sqrt(num_irreps) with ir.dim=1)
    q = (node_input @ W_q + b_q).reshape(n, H, DH)
    q = q * (1.0 / np.sqrt(DH))
    # merge_src / merge_dst linear projections
    message_src = node_input @ W_src + b_src
    message_dst = node_input @ W_dst
    # gather along edges (memory-bound)
    kv = message_src[edge_src] + message_dst[edge_dst]
    # SeparableFCTP: radial MLP -> depthwise tensor product weights (scalar irreps), then linear to kv heads
    hw = jax.nn.silu(edge_scalars @ W_fc1 + b_fc1)
    hw = jax.nn.silu(hw @ W_fc2 + b_fc2)
    dtp_w = hw @ W_fc3
    kv = kv * edge_attr * dtp_w
    kv = (kv @ W_kv + b_kv).reshape(-1, 2 * H, DH)
    k = kv[:, :H, :]
    v = kv[:, H:, :]
    # dot-product attention logits per edge/head
    alpha = jnp.einsum('eik,eik->ei', q[edge_dst], k)
    # segment softmax over destination nodes
    amax = jax.ops.segment_max(alpha, edge_dst, num_segments=n)
    amax = jnp.where(jnp.isfinite(amax), amax, 0.0)
    alpha = jnp.exp(alpha - amax[edge_dst])
    asum = jax.ops.segment_sum(alpha, edge_dst, num_segments=n)
    alpha = alpha / (asum[edge_dst] + 1e-16)
    # weighted values, scatter-add to nodes
    attn = v * alpha[:, :, None]
    out = jax.ops.segment_sum(attn, edge_dst, num_segments=n)
    out = out.reshape(n, H * DH)
    # output projection (dropouts disabled: alpha_drop=0, proj_drop=0)
    return out @ W_proj + b_proj

if __name__ == "__main__":
    import jax
    _d = setup_inputs()
    print(jax.jit(kernel)(*tuple(_d.values())))

</pallas_src>

<mosaic_0001>
#map = affine_map<(d0, d1) -> (0, 0)>
#map1 = affine_map<(d0, d1) -> (0)>
module attributes {stable_mosaic.version = 14 : i64} {
  func.func @_scatter_kernel(%arg0: i32, %arg1: i32, %arg2: memref<320000x128xf32, #tpu.memory_space<hbm>>, %arg3: memref<320000x128xf32, #tpu.memory_space<hbm>>, %arg4: memref<320000xi32, #tpu.memory_space<hbm>>, %arg5: memref<20480x128xf32, #tpu.memory_space<hbm>>, %arg6: memref<20480x128xf32, #tpu.memory_space<hbm>>, %arg7: memref<80x128xf32, #tpu.memory_space<vmem>>, %arg8: memref<80xi32, #tpu.memory_space<vmem>>, %arg9: memref<10240x128xf32, #tpu.memory_space<vmem_shared>>) attributes {dimension_semantics = [#tpu.dimension_semantics<core_parallel>, #tpu.dimension_semantics<subcore_parallel>], iteration_bounds = array<i64: 2, 16>, scalar_prefetch = 0 : i64, scratch_operands = 3 : i64, tpu.core_type = #tpu.core_type<sc_vector_subcore>, window_params = [{transform_indices = #map}, {transform_indices = #map}, {transform_indices = #map1}, {transform_indices = #map}, {transform_indices = #map}]} {
    %mul3A = arith.constant 160000 : i32
    %mul3A_0 = arith.muli %arg0, %mul3A : i32
    %mul3A_1 = arith.constant 10000 : i32
    %mul3A_2 = arith.muli %arg1, %mul3A_1 : i32
    %add3A = arith.addi %mul3A_0, %mul3A_2 : i32
    %scan3A = arith.constant 0 : i32
    %scan3A_3 = arith.constant 0 : i32
    %scan3A_4 = arith.constant 80 : i32
    %scan3A_5 = arith.addi %scan3A_3, %scan3A_4 : i32
    %scan3A_6 = arith.constant 1 : i32
    scf.for %scan3A_57 = %scan3A_3 to %scan3A_5 step %scan3A_6  : i32 {
      %broadcast_in_dim3A = arith.constant 0.000000e+00 : f32
      %broadcast_in_dim3A_58 = vector.broadcast %broadcast_in_dim3A : f32 to vector<16xf32>
      %swap3A = arith.index_cast %scan3A_57 : i32 to index
      %swap3A_59 = arith.constant 0 : index
      %swap3A_60 = tpu.vector_load %arg7[%swap3A, %swap3A_59] {strides = array<i32>} : memref<80x128xf32, #tpu.memory_space<vmem>>, vector<1x16xf32>,
      %swap3A_61 = vector.shape_cast %swap3A_60 : vector<1x16xf32> to vector<16xf32>
      %swap3A_62 = vector.shape_cast %broadcast_in_dim3A_58 : vector<16xf32> to vector<1x16xf32>
      tpu.vector_store %arg7[%swap3A, %swap3A_59], %swap3A_62 {strides = array<i32>} : memref<80x128xf32, #tpu.memory_space<vmem>>, vector<1x16xf32>,
      %broadcast_in_dim3A_63 = arith.constant 0.000000e+00 : f32
      %broadcast_in_dim3A_64 = vector.broadcast %broadcast_in_dim3A_63 : f32 to vector<16xf32>
      %swap3A_65 = arith.index_cast %scan3A_57 : i32 to index
      %swap3A_66 = arith.constant 16 : index
      %swap3A_67 = tpu.vector_load %arg7[%swap3A_65, %swap3A_66] {strides = array<i32>} : memref<80x128xf32, #tpu.memory_space<vmem>>, vector<1x16xf32>,
      %swap3A_68 = vector.shape_cast %swap3A_67 : vector<1x16xf32> to vector<16xf32>
      %swap3A_69 = vector.shape_cast %broadcast_in_dim3A_64 : vector<16xf32> to vector<1x16xf32>
      tpu.vector_store %arg7[%swap3A_65, %swap3A_66], %swap3A_69 {strides = array<i32>} : memref<80x128xf32, #tpu.memory_space<vmem>>, vector<1x16xf32>,
      %broadcast_in_dim3A_70 = arith.constant 0.000000e+00 : f32
      %broadcast_in_dim3A_71 = vector.broadcast %broadcast_in_dim3A_70 : f32 to vector<16xf32>
      %swap3A_72 = arith.index_cast %scan3A_57 : i32 to index
      %swap3A_73 = arith.constant 32 : index
      %swap3A_74 = tpu.vector_load %arg7[%swap3A_72, %swap3A_73] {strides = array<i32>} : memref<80x128xf32, #tpu.memory_space<vmem>>, vector<1x16xf32>,
      %swap3A_75 = vector.shape_cast %swap3A_74 : vector<1x16xf32> to vector<16xf32>
      %swap3A_76 = vector.shape_cast %broadcast_in_dim3A_71 : vector<16xf32> to vector<1x16xf32>
      tpu.vector_store %arg7[%swap3A_72, %swap3A_73], %swap3A_76 {strides = array<i32>} : memref<80x128xf32, #tpu.memory_space<vmem>>, vector<1x16xf32>,
      %broadcast_in_dim3A_77 = arith.constant 0.000000e+00 : f32
      %broadcast_in_dim3A_78 = vector.broadcast %broadcast_in_dim3A_77 : f32 to vector<16xf32>
      %swap3A_79 = arith.index_cast %scan3A_57 : i32 to index
      %swap3A_80 = arith.constant 48 : index
      %swap3A_81 = tpu.vector_load %arg7[%swap3A_79, %swap3A_80] {strides = array<i32>} : memref<80x128xf32, #tpu.memory_space<vmem>>, vector<1x16xf32>,
      %swap3A_82 = vector.shape_cast %swap3A_81 : vector<1x16xf32> to vector<16xf32>
      %swap3A_83 = vector.shape_cast %broadcast_in_dim3A_78 : vector<16xf32> to vector<1x16xf32>
      tpu.vector_store %arg7[%swap3A_79, %swap3A_80], %swap3A_83 {strides = array<i32>} : memref<80x128xf32, #tpu.memory_space<vmem>>, vector<1x16xf32>,
      %broadcast_in_dim3A_84 = arith.constant 0.000000e+00 : f32
      %broadcast_in_dim3A_85 = vector.broadcast %broadcast_in_dim3A_84 : f32 to vector<16xf32>
      %swap3A_86 = arith.index_cast %scan3A_57 : i32 to index
      %swap3A_87 = arith.constant 64 : index
      %swap3A_88 = tpu.vector_load %arg7[%swap3A_86, %swap3A_87] {strides = array<i32>} : memref<80x128xf32, #tpu.memory_space<vmem>>, vector<1x16xf32>,
      %swap3A_89 = vector.shape_cast %swap3A_88 : vector<1x16xf32> to vector<16xf32>
      %swap3A_90 = vector.shape_cast %broadcast_in_dim3A_85 : vector<16xf32> to vector<1x16xf32>
      tpu.vector_store %arg7[%swap3A_86, %swap3A_87], %swap3A_90 {strides = array<i32>} : memref<80x128xf32, #tpu.memory_space<vmem>>, vector<1x16xf32>,
      %broadcast_in_dim3A_91 = arith.constant 0.000000e+00 : f32
      %broadcast_in_dim3A_92 = vector.broadcast %broadcast_in_dim3A_91 : f32 to vector<16xf32>
      %swap3A_93 = arith.index_cast %scan3A_57 : i32 to index
      %swap3A_94 = arith.constant 80 : index
      %swap3A_95 = tpu.vector_load %arg7[%swap3A_93, %swap3A_94] {strides = array<i32>} : memref<80x128xf32, #tpu.memory_space<vmem>>, vector<1x16xf32>,
      %swap3A_96 = vector.shape_cast %swap3A_95 : vector<1x16xf32> to vector<16xf32>
      %swap3A_97 = vector.shape_cast %broadcast_in_dim3A_92 : vector<16xf32> to vector<1x16xf32>
      tpu.vector_store %arg7[%swap3A_93, %swap3A_94], %swap3A_97 {strides = array<i32>} : memref<80x128xf32, #tpu.memory_space<vmem>>, vector<1x16xf32>,
      %broadcast_in_dim3A_98 = arith.constant 0.000000e+00 : f32
      %broadcast_in_dim3A_99 = vector.broadcast %broadcast_in_dim3A_98 : f32 to vector<16xf32>
      %swap3A_100 = arith.index_cast %scan3A_57 : i32 to index
      %swap3A_101 = arith.constant 96 : index
      %swap3A_102 = tpu.vector_load %arg7[%swap3A_100, %swap3A_101] {strides = array<i32>} : memref<80x128xf32, #tpu.memory_space<vmem>>, vector<1x16xf32>,
      %swap3A_103 = vector.shape_cast %swap3A_102 : vector<1x16xf32> to vector<16xf32>
      %swap3A_104 = vector.shape_cast %broadcast_in_dim3A_99 : vector<16xf32> to vector<1x16xf32>
      tpu.vector_store %arg7[%swap3A_100, %swap3A_101], %swap3A_104 {strides = array<i32>} : memref<80x128xf32, #tpu.memory_space<vmem>>, vector<1x16xf32>,
      %broadcast_in_dim3A_105 = arith.constant 0.000000e+00 : f32
      %broadcast_in_dim3A_106 = vector.broadcast %broadcast_in_dim3A_105 : f32 to vector<16xf32>
      %swap3A_107 = arith.index_cast %scan3A_57 : i32 to index
      %swap3A_108 = arith.constant 112 : index
      %swap3A_109 = tpu.vector_load %arg7[%swap3A_107, %swap3A_108] {strides = array<i32>} : memref<80x128xf32, #tpu.memory_space<vmem>>, vector<1x16xf32>,
      %swap3A_110 = vector.shape_cast %swap3A_109 : vector<1x16xf32> to vector<16xf32>
      %swap3A_111 = vector.shape_cast %broadcast_in_dim3A_106 : vector<16xf32> to vector<1x16xf32>
      tpu.vector_store %arg7[%swap3A_107, %swap3A_108], %swap3A_111 {strides = array<i32>} : memref<80x128xf32, #tpu.memory_space<vmem>>, vector<1x16xf32>,
    }
    %scan3A_7 = arith.constant 80 : i32
    %scan3A_8 = arith.constant 0 : i32
    %scan3A_9 = arith.constant 0 : i32
    %scan3A_10 = arith.constant 8 : i32
    %scan3A_11 = arith.addi %scan3A_9, %scan3A_10 : i32
    %scan3A_12 = arith.constant 1 : i32
    scf.for %scan3A_57 = %scan3A_9 to %scan3A_11 step %scan3A_12  : i32 {
      %mul3A_58 = arith.constant 640 : i32
      %mul3A_59 = arith.muli %arg1, %mul3A_58 : i32
      %mul3A_60 = arith.constant 80 : i32
      %mul3A_61 = arith.muli %scan3A_57, %mul3A_60 : i32
      %add3A_62 = arith.addi %mul3A_59, %mul3A_61 : i32
      "tpu.region"() ({
        %run_scoped3A = tpu.sem_alloc : memref<!tpu.dma_semaphore, #tpu.memory_space<semaphore_mem>>
        %dma_start3A = arith.constant 0 : i32
        %dma_start3A_63 = tpu.memref_slice %arg9[%add3A_62, %dma_start3A] : memref<10240x128xf32, #tpu.memory_space<vmem_shared>> -> memref<80x128xf32, #tpu.memory_space<vmem_shared>>
        %dma_start3A_64 = arith.constant 0 : i32
        %dma_start3A_65 = tpu.memref_slice %arg9[%add3A_62, %dma_start3A_64] : memref<10240x128xf32, #tpu.memory_space<vmem_shared>> -> memref<80x128xf32, #tpu.memory_space<vmem_shared>>
        tpu.enqueue_dma source(%arg7 : memref<80x128xf32, #tpu.memory_space<vmem>>) target(%dma_start3A_65 : memref<80x128xf32, #tpu.memory_space<vmem_shared>>) target_semaphore(%run_scoped3A : memref<!tpu.dma_semaphore, #tpu.memory_space<semaphore_mem>>)
        %dma_wait3A = arith.constant 0 : i32
        %dma_wait3A_66 = tpu.memref_slice %arg9[%add3A_62, %dma_wait3A] : memref<10240x128xf32, #tpu.memory_space<vmem_shared>> -> memref<80x128xf32, #tpu.memory_space<vmem_shared>>
        %dma_wait3A_67 = arith.constant 0 : i32
        %dma_wait3A_68 = tpu.memref_slice %arg9[%add3A_62, %dma_wait3A_67] : memref<10240x128xf32, #tpu.memory_space<vmem_shared>> -> memref<80x128xf32, #tpu.memory_space<vmem_shared>>
        tpu.wait_dma2 semaphore(%run_scoped3A : memref<!tpu.dma_semaphore, #tpu.memory_space<semaphore_mem>>) src(%arg7 : memref<80x128xf32, #tpu.memory_space<vmem>>) dst(%dma_wait3A_68 : memref<80x128xf32, #tpu.memory_space<vmem_shared>>)
        tpu.yield
      }) : () -> ()
    }
    %scan3A_13 = arith.constant 8 : i32
    %barrier3A = arith.constant 0 : index
    tpu.barrier barrier_id(%barrier3A)
    %scan3A_14 = arith.constant 0 : i32
    %scan3A_15 = arith.constant 0 : i32
    %scan3A_16 = arith.constant 125 : i32
    %scan3A_17 = arith.addi %scan3A_15, %scan3A_16 : i32
    %scan3A_18 = arith.constant 1 : i32
    scf.for %scan3A_57 = %scan3A_15 to %scan3A_17 step %scan3A_18  : i32 {
      %mul3A_58 = arith.constant 80 : i32
      %mul3A_59 = arith.muli %scan3A_57, %mul3A_58 : i32
      %add3A_60 = arith.addi %add3A, %mul3A_59 : i32
      "tpu.region"() ({
        %run_scoped3A = tpu.sem_alloc : memref<!tpu.dma_semaphore, #tpu.memory_space<semaphore_mem>>
        %dma_start3A = tpu.memref_slice %arg4[%add3A_60] : memref<320000xi32, #tpu.memory_space<hbm>> -> memref<80xi32, #tpu.memory_space<hbm>>
        %dma_start3A_61 = tpu.memref_slice %arg4[%add3A_60] : memref<320000xi32, #tpu.memory_space<hbm>> -> memref<80xi32, #tpu.memory_space<hbm>>
        tpu.enqueue_dma source(%dma_start3A_61 : memref<80xi32, #tpu.memory_space<hbm>>) target(%arg8 : memref<80xi32, #tpu.memory_space<vmem>>) target_semaphore(%run_scoped3A : memref<!tpu.dma_semaphore, #tpu.memory_space<semaphore_mem>>)
        %dma_wait3A = tpu.memref_slice %arg4[%add3A_60] : memref<320000xi32, #tpu.memory_space<hbm>> -> memref<80xi32, #tpu.memory_space<hbm>>
        %dma_wait3A_62 = tpu.memref_slice %arg4[%add3A_60] : memref<320000xi32, #tpu.memory_space<hbm>> -> memref<80xi32, #tpu.memory_space<hbm>>
        tpu.wait_dma2 semaphore(%run_scoped3A : memref<!tpu.dma_semaphore, #tpu.memory_space<semaphore_mem>>) src(%dma_wait3A_62 : memref<80xi32, #tpu.memory_space<hbm>>) dst(%arg8 : memref<80xi32, #tpu.memory_space<vmem>>)
        tpu.yield
      }) : () -> ()
      "tpu.region"() ({
        %run_scoped3A = tpu.sem_alloc : memref<!tpu.dma_semaphore, #tpu.memory_space<semaphore_mem>>
        %dma_start3A = arith.constant 0 : i32
        %dma_start3A_61 = tpu.memref_slice %arg2[%add3A_60, %dma_start3A] : memref<320000x128xf32, #tpu.memory_space<hbm>> -> memref<80x128xf32, #tpu.memory_space<hbm>>
        %dma_start3A_62 = arith.constant 0 : i32
        %dma_start3A_63 = tpu.memref_slice %arg2[%add3A_60, %dma_start3A_62] : memref<320000x128xf32, #tpu.memory_space<hbm>> -> memref<80x128xf32, #tpu.memory_space<hbm>>
        tpu.enqueue_dma source(%dma_start3A_63 : memref<80x128xf32, #tpu.memory_space<hbm>>) target(%arg7 : memref<80x128xf32, #tpu.memory_space<vmem>>) target_semaphore(%run_scoped3A : memref<!tpu.dma_semaphore, #tpu.memory_space<semaphore_mem>>)
        %dma_wait3A = arith.constant 0 : i32
        %dma_wait3A_64 = tpu.memref_slice %arg2[%add3A_60, %dma_wait3A] : memref<320000x128xf32, #tpu.memory_space<hbm>> -> memref<80x128xf32, #tpu.memory_space<hbm>>
        %dma_wait3A_65 = arith.constant 0 : i32
        %dma_wait3A_66 = tpu.memref_slice %arg2[%add3A_60, %dma_wait3A_65] : memref<320000x128xf32, #tpu.memory_space<hbm>> -> memref<80x128xf32, #tpu.memory_space<hbm>>
        tpu.wait_dma2 semaphore(%run_scoped3A : memref<!tpu.dma_semaphore, #tpu.memory_space<semaphore_mem>>) src(%dma_wait3A_66 : memref<80x128xf32, #tpu.memory_space<hbm>>) dst(%arg7 : memref<80x128xf32, #tpu.memory_space<vmem>>)
        tpu.yield
      }) : () -> ()
      "tpu.region"() ({
        %run_scoped3A = tpu.sem_alloc : memref<!tpu.dma_semaphore, #tpu.memory_space<semaphore_mem>>
        %dma_start3A = arith.constant 0 : i32
        %dma_start3A_61 = arith.constant 0 : i32
        %dma_start3A_62 = tpu.memref_slice %arg9[%dma_start3A, %dma_start3A_61] : memref<10240x128xf32, #tpu.memory_space<vmem_shared>> -> memref<10240x128xf32, #tpu.memory_space<vmem_shared>>
        tpu.enqueue_indirect_dma source(%arg7 : memref<80x128xf32, #tpu.memory_space<vmem>>) target(%dma_start3A_62 : memref<10240x128xf32, #tpu.memory_space<vmem_shared>>) offsets(%arg8 : memref<80xi32, #tpu.memory_space<vmem>>) semaphore(%run_scoped3A : memref<!tpu.dma_semaphore, #tpu.memory_space<semaphore_mem>>) {add = true}
        %dma_wait3A = arith.constant 0 : i32
        %dma_wait3A_63 = arith.constant 0 : i32
        %dma_wait3A_64 = tpu.memref_slice %arg9[%dma_wait3A, %dma_wait3A_63] : memref<10240x128xf32, #tpu.memory_space<vmem_shared>> -> memref<10240x128xf32, #tpu.memory_space<vmem_shared>>
        tpu.wait_indirect_dma semaphore(%run_scoped3A : memref<!tpu.dma_semaphore, #tpu.memory_space<semaphore_mem>>) src(%arg7 : memref<80x128xf32, #tpu.memory_space<vmem>>) dst(%dma_wait3A_64 : memref<10240x128xf32, #tpu.memory_space<vmem_shared>>)
        tpu.yield
      }) : () -> ()
    }
    %scan3A_19 = arith.constant 125 : i32
    %barrier3A_20 = arith.constant 0 : index
    tpu.barrier barrier_id(%barrier3A_20)
    %mul3A_21 = arith.constant 640 : i32
    %mul3A_22 = arith.muli %arg1, %mul3A_21 : i32
    %mul3A_23 = arith.constant 10240 : i32
    %mul3A_24 = arith.muli %arg0, %mul3A_23 : i32
    %mul3A_25 = arith.constant 640 : i32
    %mul3A_26 = arith.muli %arg1, %mul3A_25 : i32
    %add3A_27 = arith.addi %mul3A_24, %mul3A_26 : i32
    "tpu.region"() ({
      %run_scoped3A = tpu.sem_alloc : memref<!tpu.dma_semaphore, #tpu.memory_space<semaphore_mem>>
      %dma_start3A = arith.constant 0 : i32
      %dma_start3A_57 = tpu.memref_slice %arg5[%add3A_27, %dma_start3A] : memref<20480x128xf32, #tpu.memory_space<hbm>> -> memref<640x128xf32, #tpu.memory_space<hbm>>
      %dma_start3A_58 = arith.constant 0 : i32
      %dma_start3A_59 = tpu.memref_slice %arg9[%mul3A_22, %dma_start3A_58] : memref<10240x128xf32, #tpu.memory_space<vmem_shared>> -> memref<640x128xf32, #tpu.memory_space<vmem_shared>>
      tpu.enqueue_dma source(%dma_start3A_59 : memref<640x128xf32, #tpu.memory_space<vmem_shared>>) target(%dma_start3A_57 : memref<640x128xf32, #tpu.memory_space<hbm>>) target_semaphore(%run_scoped3A : memref<!tpu.dma_semaphore, #tpu.memory_space<semaphore_mem>>)
      %dma_wait3A = arith.constant 0 : i32
      %dma_wait3A_60 = tpu.memref_slice %arg5[%add3A_27, %dma_wait3A] : memref<20480x128xf32, #tpu.memory_space<hbm>> -> memref<640x128xf32, #tpu.memory_space<hbm>>
      %dma_wait3A_61 = arith.constant 0 : i32
      %dma_wait3A_62 = tpu.memref_slice %arg9[%mul3A_22, %dma_wait3A_61] : memref<10240x128xf32, #tpu.memory_space<vmem_shared>> -> memref<640x128xf32, #tpu.memory_space<vmem_shared>>
      tpu.wait_dma2 semaphore(%run_scoped3A : memref<!tpu.dma_semaphore, #tpu.memory_space<semaphore_mem>>) src(%dma_wait3A_62 : memref<640x128xf32, #tpu.memory_space<vmem_shared>>) dst(%dma_wait3A_60 : memref<640x128xf32, #tpu.memory_space<hbm>>)
      tpu.yield
    }) : () -> ()
    %barrier3A_28 = arith.constant 0 : index
    tpu.barrier barrier_id(%barrier3A_28)
    %scan3A_29 = arith.constant 0 : i32
    %scan3A_30 = arith.constant 0 : i32
    %scan3A_31 = arith.constant 80 : i32
    %scan3A_32 = arith.addi %scan3A_30, %scan3A_31 : i32
    %scan3A_33 = arith.constant 1 : i32
    scf.for %scan3A_57 = %scan3A_30 to %scan3A_32 step %scan3A_33  : i32 {
      %broadcast_in_dim3A = arith.constant 0.000000e+00 : f32
      %broadcast_in_dim3A_58 = vector.broadcast %broadcast_in_dim3A : f32 to vector<16xf32>
      %swap3A = arith.index_cast %scan3A_57 : i32 to index
      %swap3A_59 = arith.constant 0 : index
      %swap3A_60 = tpu.vector_load %arg7[%swap3A, %swap3A_59] {strides = array<i32>} : memref<80x128xf32, #tpu.memory_space<vmem>>, vector<1x16xf32>,
      %swap3A_61 = vector.shape_cast %swap3A_60 : vector<1x16xf32> to vector<16xf32>
      %swap3A_62 = vector.shape_cast %broadcast_in_dim3A_58 : vector<16xf32> to vector<1x16xf32>
      tpu.vector_store %arg7[%swap3A, %swap3A_59], %swap3A_62 {strides = array<i32>} : memref<80x128xf32, #tpu.memory_space<vmem>>, vector<1x16xf32>,
      %broadcast_in_dim3A_63 = arith.constant 0.000000e+00 : f32
      %broadcast_in_dim3A_64 = vector.broadcast %broadcast_in_dim3A_63 : f32 to vector<16xf32>
      %swap3A_65 = arith.index_cast %scan3A_57 : i32 to index
      %swap3A_66 = arith.constant 16 : index
      %swap3A_67 = tpu.vector_load %arg7[%swap3A_65, %swap3A_66] {strides = array<i32>} : memref<80x128xf32, #tpu.memory_space<vmem>>, vector<1x16xf32>,
      %swap3A_68 = vector.shape_cast %swap3A_67 : vector<1x16xf32> to vector<16xf32>
      %swap3A_69 = vector.shape_cast %broadcast_in_dim3A_64 : vector<16xf32> to vector<1x16xf32>
      tpu.vector_store %arg7[%swap3A_65, %swap3A_66], %swap3A_69 {strides = array<i32>} : memref<80x128xf32, #tpu.memory_space<vmem>>, vector<1x16xf32>,
      %broadcast_in_dim3A_70 = arith.constant 0.000000e+00 : f32
      %broadcast_in_dim3A_71 = vector.broadcast %broadcast_in_dim3A_70 : f32 to vector<16xf32>
      %swap3A_72 = arith.index_cast %scan3A_57 : i32 to index
      %swap3A_73 = arith.constant 32 : index
      %swap3A_74 = tpu.vector_load %arg7[%swap3A_72, %swap3A_73] {strides = array<i32>} : memref<80x128xf32, #tpu.memory_space<vmem>>, vector<1x16xf32>,
      %swap3A_75 = vector.shape_cast %swap3A_74 : vector<1x16xf32> to vector<16xf32>
      %swap3A_76 = vector.shape_cast %broadcast_in_dim3A_71 : vector<16xf32> to vector<1x16xf32>
      tpu.vector_store %arg7[%swap3A_72, %swap3A_73], %swap3A_76 {strides = array<i32>} : memref<80x128xf32, #tpu.memory_space<vmem>>, vector<1x16xf32>,
      %broadcast_in_dim3A_77 = arith.constant 0.000000e+00 : f32
      %broadcast_in_dim3A_78 = vector.broadcast %broadcast_in_dim3A_77 : f32 to vector<16xf32>
      %swap3A_79 = arith.index_cast %scan3A_57 : i32 to index
      %swap3A_80 = arith.constant 48 : index
      %swap3A_81 = tpu.vector_load %arg7[%swap3A_79, %swap3A_80] {strides = array<i32>} : memref<80x128xf32, #tpu.memory_space<vmem>>, vector<1x16xf32>,
      %swap3A_82 = vector.shape_cast %swap3A_81 : vector<1x16xf32> to vector<16xf32>
      %swap3A_83 = vector.shape_cast %broadcast_in_dim3A_78 : vector<16xf32> to vector<1x16xf32>
      tpu.vector_store %arg7[%swap3A_79, %swap3A_80], %swap3A_83 {strides = array<i32>} : memref<80x128xf32, #tpu.memory_space<vmem>>, vector<1x16xf32>,
      %broadcast_in_dim3A_84 = arith.constant 0.000000e+00 : f32
      %broadcast_in_dim3A_85 = vector.broadcast %broadcast_in_dim3A_84 : f32 to vector<16xf32>
      %swap3A_86 = arith.index_cast %scan3A_57 : i32 to index
      %swap3A_87 = arith.constant 64 : index
      %swap3A_88 = tpu.vector_load %arg7[%swap3A_86, %swap3A_87] {strides = array<i32>} : memref<80x128xf32, #tpu.memory_space<vmem>>, vector<1x16xf32>,
      %swap3A_89 = vector.shape_cast %swap3A_88 : vector<1x16xf32> to vector<16xf32>
      %swap3A_90 = vector.shape_cast %broadcast_in_dim3A_85 : vector<16xf32> to vector<1x16xf32>
      tpu.vector_store %arg7[%swap3A_86, %swap3A_87], %swap3A_90 {strides = array<i32>} : memref<80x128xf32, #tpu.memory_space<vmem>>, vector<1x16xf32>,
      %broadcast_in_dim3A_91 = arith.constant 0.000000e+00 : f32
      %broadcast_in_dim3A_92 = vector.broadcast %broadcast_in_dim3A_91 : f32 to vector<16xf32>
      %swap3A_93 = arith.index_cast %scan3A_57 : i32 to index
      %swap3A_94 = arith.constant 80 : index
      %swap3A_95 = tpu.vector_load %arg7[%swap3A_93, %swap3A_94] {strides = array<i32>} : memref<80x128xf32, #tpu.memory_space<vmem>>, vector<1x16xf32>,
      %swap3A_96 = vector.shape_cast %swap3A_95 : vector<1x16xf32> to vector<16xf32>
      %swap3A_97 = vector.shape_cast %broadcast_in_dim3A_92 : vector<16xf32> to vector<1x16xf32>
      tpu.vector_store %arg7[%swap3A_93, %swap3A_94], %swap3A_97 {strides = array<i32>} : memref<80x128xf32, #tpu.memory_space<vmem>>, vector<1x16xf32>,
      %broadcast_in_dim3A_98 = arith.constant 0.000000e+00 : f32
      %broadcast_in_dim3A_99 = vector.broadcast %broadcast_in_dim3A_98 : f32 to vector<16xf32>
      %swap3A_100 = arith.index_cast %scan3A_57 : i32 to index
      %swap3A_101 = arith.constant 96 : index
      %swap3A_102 = tpu.vector_load %arg7[%swap3A_100, %swap3A_101] {strides = array<i32>} : memref<80x128xf32, #tpu.memory_space<vmem>>, vector<1x16xf32>,
      %swap3A_103 = vector.shape_cast %swap3A_102 : vector<1x16xf32> to vector<16xf32>
      %swap3A_104 = vector.shape_cast %broadcast_in_dim3A_99 : vector<16xf32> to vector<1x16xf32>
      tpu.vector_store %arg7[%swap3A_100, %swap3A_101], %swap3A_104 {strides = array<i32>} : memref<80x128xf32, #tpu.memory_space<vmem>>, vector<1x16xf32>,
      %broadcast_in_dim3A_105 = arith.constant 0.000000e+00 : f32
      %broadcast_in_dim3A_106 = vector.broadcast %broadcast_in_dim3A_105 : f32 to vector<16xf32>
      %swap3A_107 = arith.index_cast %scan3A_57 : i32 to index
      %swap3A_108 = arith.constant 112 : index
      %swap3A_109 = tpu.vector_load %arg7[%swap3A_107, %swap3A_108] {strides = array<i32>} : memref<80x128xf32, #tpu.memory_space<vmem>>, vector<1x16xf32>,
      %swap3A_110 = vector.shape_cast %swap3A_109 : vector<1x16xf32> to vector<16xf32>
      %swap3A_111 = vector.shape_cast %broadcast_in_dim3A_106 : vector<16xf32> to vector<1x16xf32>
      tpu.vector_store %arg7[%swap3A_107, %swap3A_108], %swap3A_111 {strides = array<i32>} : memref<80x128xf32, #tpu.memory_space<vmem>>, vector<1x16xf32>,
    }
    %scan3A_34 = arith.constant 80 : i32
    %scan3A_35 = arith.constant 0 : i32
    %scan3A_36 = arith.constant 0 : i32
    %scan3A_37 = arith.constant 8 : i32
    %scan3A_38 = arith.addi %scan3A_36, %scan3A_37 : i32
    %scan3A_39 = arith.constant 1 : i32
    scf.for %scan3A_57 = %scan3A_36 to %scan3A_38 step %scan3A_39  : i32 {
      %mul3A_58 = arith.constant 640 : i32
      %mul3A_59 = arith.muli %arg1, %mul3A_58 : i32
      %mul3A_60 = arith.constant 80 : i32
      %mul3A_61 = arith.muli %scan3A_57, %mul3A_60 : i32
      %add3A_62 = arith.addi %mul3A_59, %mul3A_61 : i32
      "tpu.region"() ({
        %run_scoped3A = tpu.sem_alloc : memref<!tpu.dma_semaphore, #tpu.memory_space<semaphore_mem>>
        %dma_start3A = arith.constant 0 : i32
        %dma_start3A_63 = tpu.memref_slice %arg9[%add3A_62, %dma_start3A] : memref<10240x128xf32, #tpu.memory_space<vmem_shared>> -> memref<80x128xf32, #tpu.memory_space<vmem_shared>>
        %dma_start3A_64 = arith.constant 0 : i32
        %dma_start3A_65 = tpu.memref_slice %arg9[%add3A_62, %dma_start3A_64] : memref<10240x128xf32, #tpu.memory_space<vmem_shared>> -> memref<80x128xf32, #tpu.memory_space<vmem_shared>>
        tpu.enqueue_dma source(%arg7 : memref<80x128xf32, #tpu.memory_space<vmem>>) target(%dma_start3A_65 : memref<80x128xf32, #tpu.memory_space<vmem_shared>>) target_semaphore(%run_scoped3A : memref<!tpu.dma_semaphore, #tpu.memory_space<semaphore_mem>>)
        %dma_wait3A = arith.constant 0 : i32
        %dma_wait3A_66 = tpu.memref_slice %arg9[%add3A_62, %dma_wait3A] : memref<10240x128xf32, #tpu.memory_space<vmem_shared>> -> memref<80x128xf32, #tpu.memory_space<vmem_shared>>
        %dma_wait3A_67 = arith.constant 0 : i32
        %dma_wait3A_68 = tpu.memref_slice %arg9[%add3A_62, %dma_wait3A_67] : memref<10240x128xf32, #tpu.memory_space<vmem_shared>> -> memref<80x128xf32, #tpu.memory_space<vmem_shared>>
        tpu.wait_dma2 semaphore(%run_scoped3A : memref<!tpu.dma_semaphore, #tpu.memory_space<semaphore_mem>>) src(%arg7 : memref<80x128xf32, #tpu.memory_space<vmem>>) dst(%dma_wait3A_68 : memref<80x128xf32, #tpu.memory_space<vmem_shared>>)
        tpu.yield
      }) : () -> ()
    }
    %scan3A_40 = arith.constant 8 : i32
    %barrier3A_41 = arith.constant 0 : index
    tpu.barrier barrier_id(%barrier3A_41)
    %scan3A_42 = arith.constant 0 : i32
    %scan3A_43 = arith.constant 0 : i32
    %scan3A_44 = arith.constant 125 : i32
    %scan3A_45 = arith.addi %scan3A_43, %scan3A_44 : i32
    %scan3A_46 = arith.constant 1 : i32
    scf.for %scan3A_57 = %scan3A_43 to %scan3A_45 step %scan3A_46  : i32 {
      %mul3A_58 = arith.constant 80 : i32
      %mul3A_59 = arith.muli %scan3A_57, %mul3A_58 : i32
      %add3A_60 = arith.addi %add3A, %mul3A_59 : i32
      "tpu.region"() ({
        %run_scoped3A = tpu.sem_alloc : memref<!tpu.dma_semaphore, #tpu.memory_space<semaphore_mem>>
        %dma_start3A = tpu.memref_slice %arg4[%add3A_60] : memref<320000xi32, #tpu.memory_space<hbm>> -> memref<80xi32, #tpu.memory_space<hbm>>
        %dma_start3A_61 = tpu.memref_slice %arg4[%add3A_60] : memref<320000xi32, #tpu.memory_space<hbm>> -> memref<80xi32, #tpu.memory_space<hbm>>
        tpu.enqueue_dma source(%dma_start3A_61 : memref<80xi32, #tpu.memory_space<hbm>>) target(%arg8 : memref<80xi32, #tpu.memory_space<vmem>>) target_semaphore(%run_scoped3A : memref<!tpu.dma_semaphore, #tpu.memory_space<semaphore_mem>>)
        %dma_wait3A = tpu.memref_slice %arg4[%add3A_60] : memref<320000xi32, #tpu.memory_space<hbm>> -> memref<80xi32, #tpu.memory_space<hbm>>
        %dma_wait3A_62 = tpu.memref_slice %arg4[%add3A_60] : memref<320000xi32, #tpu.memory_space<hbm>> -> memref<80xi32, #tpu.memory_space<hbm>>
        tpu.wait_dma2 semaphore(%run_scoped3A : memref<!tpu.dma_semaphore, #tpu.memory_space<semaphore_mem>>) src(%dma_wait3A_62 : memref<80xi32, #tpu.memory_space<hbm>>) dst(%arg8 : memref<80xi32, #tpu.memory_space<vmem>>)
        tpu.yield
      }) : () -> ()
      "tpu.region"() ({
        %run_scoped3A = tpu.sem_alloc : memref<!tpu.dma_semaphore, #tpu.memory_space<semaphore_mem>>
        %dma_start3A = arith.constant 0 : i32
        %dma_start3A_61 = tpu.memref_slice %arg3[%add3A_60, %dma_start3A] : memref<320000x128xf32, #tpu.memory_space<hbm>> -> memref<80x128xf32, #tpu.memory_space<hbm>>
        %dma_start3A_62 = arith.constant 0 : i32
        %dma_start3A_63 = tpu.memref_slice %arg3[%add3A_60, %dma_start3A_62] : memref<320000x128xf32, #tpu.memory_space<hbm>> -> memref<80x128xf32, #tpu.memory_space<hbm>>
        tpu.enqueue_dma source(%dma_start3A_63 : memref<80x128xf32, #tpu.memory_space<hbm>>) target(%arg7 : memref<80x128xf32, #tpu.memory_space<vmem>>) target_semaphore(%run_scoped3A : memref<!tpu.dma_semaphore, #tpu.memory_space<semaphore_mem>>)
        %dma_wait3A = arith.constant 0 : i32
        %dma_wait3A_64 = tpu.memref_slice %arg3[%add3A_60, %dma_wait3A] : memref<320000x128xf32, #tpu.memory_space<hbm>> -> memref<80x128xf32, #tpu.memory_space<hbm>>
        %dma_wait3A_65 = arith.constant 0 : i32
        %dma_wait3A_66 = tpu.memref_slice %arg3[%add3A_60, %dma_wait3A_65] : memref<320000x128xf32, #tpu.memory_space<hbm>> -> memref<80x128xf32, #tpu.memory_space<hbm>>
        tpu.wait_dma2 semaphore(%run_scoped3A : memref<!tpu.dma_semaphore, #tpu.memory_space<semaphore_mem>>) src(%dma_wait3A_66 : memref<80x128xf32, #tpu.memory_space<hbm>>) dst(%arg7 : memref<80x128xf32, #tpu.memory_space<vmem>>)
        tpu.yield
      }) : () -> ()
      "tpu.region"() ({
        %run_scoped3A = tpu.sem_alloc : memref<!tpu.dma_semaphore, #tpu.memory_space<semaphore_mem>>
        %dma_start3A = arith.constant 0 : i32
        %dma_start3A_61 = arith.constant 0 : i32
        %dma_start3A_62 = tpu.memref_slice %arg9[%dma_start3A, %dma_start3A_61] : memref<10240x128xf32, #tpu.memory_space<vmem_shared>> -> memref<10240x128xf32, #tpu.memory_space<vmem_shared>>
        tpu.enqueue_indirect_dma source(%arg7 : memref<80x128xf32, #tpu.memory_space<vmem>>) target(%dma_start3A_62 : memref<10240x128xf32, #tpu.memory_space<vmem_shared>>) offsets(%arg8 : memref<80xi32, #tpu.memory_space<vmem>>) semaphore(%run_scoped3A : memref<!tpu.dma_semaphore, #tpu.memory_space<semaphore_mem>>) {add = true}
        %dma_wait3A = arith.constant 0 : i32
        %dma_wait3A_63 = arith.constant 0 : i32
        %dma_wait3A_64 = tpu.memref_slice %arg9[%dma_wait3A, %dma_wait3A_63] : memref<10240x128xf32, #tpu.memory_space<vmem_shared>> -> memref<10240x128xf32, #tpu.memory_space<vmem_shared>>
        tpu.wait_indirect_dma semaphore(%run_scoped3A : memref<!tpu.dma_semaphore, #tpu.memory_space<semaphore_mem>>) src(%arg7 : memref<80x128xf32, #tpu.memory_space<vmem>>) dst(%dma_wait3A_64 : memref<10240x128xf32, #tpu.memory_space<vmem_shared>>)
        tpu.yield
      }) : () -> ()
    }
    %scan3A_47 = arith.constant 125 : i32
    %barrier3A_48 = arith.constant 0 : index
    tpu.barrier barrier_id(%barrier3A_48)
    %mul3A_49 = arith.constant 640 : i32
    %mul3A_50 = arith.muli %arg1, %mul3A_49 : i32
    %mul3A_51 = arith.constant 10240 : i32
    %mul3A_52 = arith.muli %arg0, %mul3A_51 : i32
    %mul3A_53 = arith.constant 640 : i32
    %mul3A_54 = arith.muli %arg1, %mul3A_53 : i32
    %add3A_55 = arith.addi %mul3A_52, %mul3A_54 : i32
    "tpu.region"() ({
      %run_scoped3A = tpu.sem_alloc : memref<!tpu.dma_semaphore, #tpu.memory_space<semaphore_mem>>
      %dma_start3A = arith.constant 0 : i32
      %dma_start3A_57 = tpu.memref_slice %arg6[%add3A_55, %dma_start3A] : memref<20480x128xf32, #tpu.memory_space<hbm>> -> memref<640x128xf32, #tpu.memory_space<hbm>>
      %dma_start3A_58 = arith.constant 0 : i32
      %dma_start3A_59 = tpu.memref_slice %arg9[%mul3A_50, %dma_start3A_58] : memref<10240x128xf32, #tpu.memory_space<vmem_shared>> -> memref<640x128xf32, #tpu.memory_space<vmem_shared>>
      tpu.enqueue_dma source(%dma_start3A_59 : memref<640x128xf32, #tpu.memory_space<vmem_shared>>) target(%dma_start3A_57 : memref<640x128xf32, #tpu.memory_space<hbm>>) target_semaphore(%run_scoped3A : memref<!tpu.dma_semaphore, #tpu.memory_space<semaphore_mem>>)
      %dma_wait3A = arith.constant 0 : i32
      %dma_wait3A_60 = tpu.memref_slice %arg6[%add3A_55, %dma_wait3A] : memref<20480x128xf32, #tpu.memory_space<hbm>> -> memref<640x128xf32, #tpu.memory_space<hbm>>
      %dma_wait3A_61 = arith.constant 0 : i32
      %dma_wait3A_62 = tpu.memref_slice %arg9[%mul3A_50, %dma_wait3A_61] : memref<10240x128xf32, #tpu.memory_space<vmem_shared>> -> memref<640x128xf32, #tpu.memory_space<vmem_shared>>
      tpu.wait_dma2 semaphore(%run_scoped3A : memref<!tpu.dma_semaphore, #tpu.memory_space<semaphore_mem>>) src(%dma_wait3A_62 : memref<640x128xf32, #tpu.memory_space<vmem_shared>>) dst(%dma_wait3A_60 : memref<640x128xf32, #tpu.memory_space<hbm>>)
      tpu.yield
    }) : () -> ()
    %barrier3A_56 = arith.constant 0 : index
    tpu.barrier barrier_id(%barrier3A_56)
    return
  }
}

#map = affine_map<(d0, d1) -> (0, 0)>
#map1 = affine_map<(d0, d1) -> (0)>
module attributes {stable_mosaic.version = 14 : i64} {
  func.func @_gather_kernel(%arg0: i32, %arg1: i32, %arg2: memref<10000x128xf32, #tpu.memory_space<hbm>>, %arg3: memref<10000x128xf32, #tpu.memory_space<hbm>>, %arg4: memref<10000x128xf32, #tpu.memory_space<hbm>>, %arg5: memref<320000xi32, #tpu.memory_space<hbm>>, %arg6: memref<320000xi32, #tpu.memory_space<hbm>>, %arg7: memref<320000x128xf32, #tpu.memory_space<hbm>>, %arg8: memref<320000x128xf32, #tpu.memory_space<hbm>>, %arg9: memref<320000x128xf32, #tpu.memory_space<hbm>>, %arg10: memref<80xi32, #tpu.memory_space<vmem>>, %arg11: memref<80xi32, #tpu.memory_space<vmem>>, %arg12: memref<80x128xf32, #tpu.memory_space<vmem>>, %arg13: memref<80x128xf32, #tpu.memory_space<vmem>>, %arg14: memref<80x128xf32, #tpu.memory_space<vmem>>, %arg15: memref<!tpu.dma_semaphore, #tpu.memory_space<semaphore_mem>>) attributes {dimension_semantics = [#tpu.dimension_semantics<core_parallel>, #tpu.dimension_semantics<subcore_parallel>], iteration_bounds = array<i64: 2, 16>, scalar_prefetch = 0 : i64, scratch_operands = 6 : i64, tpu.core_type = #tpu.core_type<sc_vector_subcore>, window_params = [{transform_indices = #map}, {transform_indices = #map}, {transform_indices = #map}, {transform_indices = #map1}, {transform_indices = #map1}, {transform_indices = #map}, {transform_indices = #map}, {transform_indices = #map}]} {
    %mul3A = arith.constant 2 : i32
    %mul3A_0 = arith.muli %arg1, %mul3A : i32
    %add3A = arith.addi %mul3A_0, %arg0 : i32
    %mul3A_1 = arith.constant 10000 : i32
    %mul3A_2 = arith.muli %add3A, %mul3A_1 : i32
    %scan3A = arith.constant 0 : i32
    %scan3A_3 = arith.constant 0 : i32
    %scan3A_4 = arith.constant 125 : i32
    %scan3A_5 = arith.addi %scan3A_3, %scan3A_4 : i32
    %scan3A_6 = arith.constant 1 : i32
    scf.for %scan3A_8 = %scan3A_3 to %scan3A_5 step %scan3A_6  : i32 {
      %mul3A_9 = arith.constant 80 : i32
      %mul3A_10 = arith.muli %scan3A_8, %mul3A_9 : i32
      %add3A_11 = arith.addi %mul3A_2, %mul3A_10 : i32
      "tpu.region"() ({
        %run_scoped3A = tpu.sem_alloc : memref<!tpu.dma_semaphore, #tpu.memory_space<semaphore_mem>>
        %dma_start3A_28 = tpu.memref_slice %arg5[%add3A_11] : memref<320000xi32, #tpu.memory_space<hbm>> -> memref<80xi32, #tpu.memory_space<hbm>>
        %dma_start3A_29 = tpu.memref_slice %arg5[%add3A_11] : memref<320000xi32, #tpu.memory_space<hbm>> -> memref<80xi32, #tpu.memory_space<hbm>>
        tpu.enqueue_dma source(%dma_start3A_29 : memref<80xi32, #tpu.memory_space<hbm>>) target(%arg10 : memref<80xi32, #tpu.memory_space<vmem>>) target_semaphore(%run_scoped3A : memref<!tpu.dma_semaphore, #tpu.memory_space<semaphore_mem>>)
        %dma_wait3A_30 = tpu.memref_slice %arg5[%add3A_11] : memref<320000xi32, #tpu.memory_space<hbm>> -> memref<80xi32, #tpu.memory_space<hbm>>
        %dma_wait3A_31 = tpu.memref_slice %arg5[%add3A_11] : memref<320000xi32, #tpu.memory_space<hbm>> -> memref<80xi32, #tpu.memory_space<hbm>>
        tpu.wait_dma2 semaphore(%run_scoped3A : memref<!tpu.dma_semaphore, #tpu.memory_space<semaphore_mem>>) src(%dma_wait3A_31 : memref<80xi32, #tpu.memory_space<hbm>>) dst(%arg10 : memref<80xi32, #tpu.memory_space<vmem>>)
        tpu.yield
      }) : () -> ()
      "tpu.region"() ({
        %run_scoped3A = tpu.sem_alloc : memref<!tpu.dma_semaphore, #tpu.memory_space<semaphore_mem>>
        %dma_start3A_28 = tpu.memref_slice %arg6[%add3A_11] : memref<320000xi32, #tpu.memory_space<hbm>> -> memref<80xi32, #tpu.memory_space<hbm>>
        %dma_start3A_29 = tpu.memref_slice %arg6[%add3A_11] : memref<320000xi32, #tpu.memory_space<hbm>> -> memref<80xi32, #tpu.memory_space<hbm>>
        tpu.enqueue_dma source(%dma_start3A_29 : memref<80xi32, #tpu.memory_space<hbm>>) target(%arg11 : memref<80xi32, #tpu.memory_space<vmem>>) target_semaphore(%run_scoped3A : memref<!tpu.dma_semaphore, #tpu.memory_space<semaphore_mem>>)
        %dma_wait3A_30 = tpu.memref_slice %arg6[%add3A_11] : memref<320000xi32, #tpu.memory_space<hbm>> -> memref<80xi32, #tpu.memory_space<hbm>>
        %dma_wait3A_31 = tpu.memref_slice %arg6[%add3A_11] : memref<320000xi32, #tpu.memory_space<hbm>> -> memref<80xi32, #tpu.memory_space<hbm>>
        tpu.wait_dma2 semaphore(%run_scoped3A : memref<!tpu.dma_semaphore, #tpu.memory_space<semaphore_mem>>) src(%dma_wait3A_31 : memref<80xi32, #tpu.memory_space<hbm>>) dst(%arg11 : memref<80xi32, #tpu.memory_space<vmem>>)
        tpu.yield
      }) : () -> ()
      %dma_start3A = arith.constant 0 : i32
      %dma_start3A_12 = arith.constant 0 : i32
      %dma_start3A_13 = tpu.memref_slice %arg2[%dma_start3A, %dma_start3A_12] : memref<10000x128xf32, #tpu.memory_space<hbm>> -> memref<10000x128xf32, #tpu.memory_space<hbm>>
      tpu.enqueue_indirect_dma source(%dma_start3A_13 : memref<10000x128xf32, #tpu.memory_space<hbm>>) target(%arg12 : memref<80x128xf32, #tpu.memory_space<vmem>>) offsets(%arg10 : memref<80xi32, #tpu.memory_space<vmem>>) semaphore(%arg15 : memref<!tpu.dma_semaphore, #tpu.memory_space<semaphore_mem>>)
      %dma_start3A_14 = arith.constant 0 : i32
      %dma_start3A_15 = arith.constant 0 : i32
      %dma_start3A_16 = tpu.memref_slice %arg3[%dma_start3A_14, %dma_start3A_15] : memref<10000x128xf32, #tpu.memory_space<hbm>> -> memref<10000x128xf32, #tpu.memory_space<hbm>>
      tpu.enqueue_indirect_dma source(%dma_start3A_16 : memref<10000x128xf32, #tpu.memory_space<hbm>>) target(%arg13 : memref<80x128xf32, #tpu.memory_space<vmem>>) offsets(%arg11 : memref<80xi32, #tpu.memory_space<vmem>>) semaphore(%arg15 : memref<!tpu.dma_semaphore, #tpu.memory_space<semaphore_mem>>)
      %dma_start3A_17 = arith.constant 0 : i32
      %dma_start3A_18 = arith.constant 0 : i32
      %dma_start3A_19 = tpu.memref_slice %arg4[%dma_start3A_17, %dma_start3A_18] : memref<10000x128xf32, #tpu.memory_space<hbm>> -> memref<10000x128xf32, #tpu.memory_space<hbm>>
      tpu.enqueue_indirect_dma source(%dma_start3A_19 : memref<10000x128xf32, #tpu.memory_space<hbm>>) target(%arg14 : memref<80x128xf32, #tpu.memory_space<vmem>>) offsets(%arg11 : memref<80xi32, #tpu.memory_space<vmem>>) semaphore(%arg15 : memref<!tpu.dma_semaphore, #tpu.memory_space<semaphore_mem>>)
      %dma_wait3A = arith.constant 0 : i32
      %dma_wait3A_20 = arith.constant 0 : i32
      %dma_wait3A_21 = tpu.memref_slice %arg2[%dma_wait3A, %dma_wait3A_20] : memref<10000x128xf32, #tpu.memory_space<hbm>> -> memref<10000x128xf32, #tpu.memory_space<hbm>>
      tpu.wait_indirect_dma semaphore(%arg15 : memref<!tpu.dma_semaphore, #tpu.memory_space<semaphore_mem>>) src(%dma_wait3A_21 : memref<10000x128xf32, #tpu.memory_space<hbm>>) dst(%arg12 : memref<80x128xf32, #tpu.memory_space<vmem>>)
      %dma_wait3A_22 = arith.constant 0 : i32
      %dma_wait3A_23 = arith.constant 0 : i32
      %dma_wait3A_24 = tpu.memref_slice %arg3[%dma_wait3A_22, %dma_wait3A_23] : memref<10000x128xf32, #tpu.memory_space<hbm>> -> memref<10000x128xf32, #tpu.memory_space<hbm>>
      tpu.wait_indirect_dma semaphore(%arg15 : memref<!tpu.dma_semaphore, #tpu.memory_space<semaphore_mem>>) src(%dma_wait3A_24 : memref<10000x128xf32, #tpu.memory_space<hbm>>) dst(%arg13 : memref<80x128xf32, #tpu.memory_space<vmem>>)
      %dma_wait3A_25 = arith.constant 0 : i32
      %dma_wait3A_26 = arith.constant 0 : i32
      %dma_wait3A_27 = tpu.memref_slice %arg4[%dma_wait3A_25, %dma_wait3A_26] : memref<10000x128xf32, #tpu.memory_space<hbm>> -> memref<10000x128xf32, #tpu.memory_space<hbm>>
      tpu.wait_indirect_dma semaphore(%arg15 : memref<!tpu.dma_semaphore, #tpu.memory_space<semaphore_mem>>) src(%dma_wait3A_27 : memref<10000x128xf32, #tpu.memory_space<hbm>>) dst(%arg14 : memref<80x128xf32, #tpu.memory_space<vmem>>)
      "tpu.region"() ({
        %run_scoped3A = tpu.sem_alloc : memref<!tpu.dma_semaphore, #tpu.memory_space<semaphore_mem>>
        %dma_start3A_28 = arith.constant 0 : i32
        %dma_start3A_29 = tpu.memref_slice %arg7[%add3A_11, %dma_start3A_28] : memref<320000x128xf32, #tpu.memory_space<hbm>> -> memref<80x128xf32, #tpu.memory_space<hbm>>
        %dma_start3A_30 = arith.constant 0 : i32
        %dma_start3A_31 = tpu.memref_slice %arg7[%add3A_11, %dma_start3A_30] : memref<320000x128xf32, #tpu.memory_space<hbm>> -> memref<80x128xf32, #tpu.memory_space<hbm>>
        tpu.enqueue_dma source(%arg12 : memref<80x128xf32, #tpu.memory_space<vmem>>) target(%dma_start3A_31 : memref<80x128xf32, #tpu.memory_space<hbm>>) target_semaphore(%run_scoped3A : memref<!tpu.dma_semaphore, #tpu.memory_space<semaphore_mem>>)
        %dma_wait3A_32 = arith.constant 0 : i32
        %dma_wait3A_33 = tpu.memref_slice %arg7[%add3A_11, %dma_wait3A_32] : memref<320000x128xf32, #tpu.memory_space<hbm>> -> memref<80x128xf32, #tpu.memory_space<hbm>>
        %dma_wait3A_34 = arith.constant 0 : i32
        %dma_wait3A_35 = tpu.memref_slice %arg7[%add3A_11, %dma_wait3A_34] : memref<320000x128xf32, #tpu.memory_space<hbm>> -> memref<80x128xf32, #tpu.memory_space<hbm>>
        tpu.wait_dma2 semaphore(%run_scoped3A : memref<!tpu.dma_semaphore, #tpu.memory_space<semaphore_mem>>) src(%arg12 : memref<80x128xf32, #tpu.memory_space<vmem>>) dst(%dma_wait3A_35 : memref<80x128xf32, #tpu.memory_space<hbm>>)
        tpu.yield
      }) : () -> ()
      "tpu.region"() ({
        %run_scoped3A = tpu.sem_alloc : memref<!tpu.dma_semaphore, #tpu.memory_space<semaphore_mem>>
        %dma_start3A_28 = arith.constant 0 : i32
        %dma_start3A_29 = tpu.memref_slice %arg8[%add3A_11, %dma_start3A_28] : memref<320000x128xf32, #tpu.memory_space<hbm>> -> memref<80x128xf32, #tpu.memory_space<hbm>>
        %dma_start3A_30 = arith.constant 0 : i32
        %dma_start3A_31 = tpu.memref_slice %arg8[%add3A_11, %dma_start3A_30] : memref<320000x128xf32, #tpu.memory_space<hbm>> -> memref<80x128xf32, #tpu.memory_space<hbm>>
        tpu.enqueue_dma source(%arg13 : memref<80x128xf32, #tpu.memory_space<vmem>>) target(%dma_start3A_31 : memref<80x128xf32, #tpu.memory_space<hbm>>) target_semaphore(%run_scoped3A : memref<!tpu.dma_semaphore, #tpu.memory_space<semaphore_mem>>)
        %dma_wait3A_32 = arith.constant 0 : i32
        %dma_wait3A_33 = tpu.memref_slice %arg8[%add3A_11, %dma_wait3A_32] : memref<320000x128xf32, #tpu.memory_space<hbm>> -> memref<80x128xf32, #tpu.memory_space<hbm>>
        %dma_wait3A_34 = arith.constant 0 : i32
        %dma_wait3A_35 = tpu.memref_slice %arg8[%add3A_11, %dma_wait3A_34] : memref<320000x128xf32, #tpu.memory_space<hbm>> -> memref<80x128xf32, #tpu.memory_space<hbm>>
        tpu.wait_dma2 semaphore(%run_scoped3A : memref<!tpu.dma_semaphore, #tpu.memory_space<semaphore_mem>>) src(%arg13 : memref<80x128xf32, #tpu.memory_space<vmem>>) dst(%dma_wait3A_35 : memref<80x128xf32, #tpu.memory_space<hbm>>)
        tpu.yield
      }) : () -> ()
      "tpu.region"() ({
        %run_scoped3A = tpu.sem_alloc : memref<!tpu.dma_semaphore, #tpu.memory_space<semaphore_mem>>
        %dma_start3A_28 = arith.constant 0 : i32
        %dma_start3A_29 = tpu.memref_slice %arg9[%add3A_11, %dma_start3A_28] : memref<320000x128xf32, #tpu.memory_space<hbm>> -> memref<80x128xf32, #tpu.memory_space<hbm>>
        %dma_start3A_30 = arith.constant 0 : i32
        %dma_start3A_31 = tpu.memref_slice %arg9[%add3A_11, %dma_start3A_30] : memref<320000x128xf32, #tpu.memory_space<hbm>> -> memref<80x128xf32, #tpu.memory_space<hbm>>
        tpu.enqueue_dma source(%arg14 : memref<80x128xf32, #tpu.memory_space<vmem>>) target(%dma_start3A_31 : memref<80x128xf32, #tpu.memory_space<hbm>>) target_semaphore(%run_scoped3A : memref<!tpu.dma_semaphore, #tpu.memory_space<semaphore_mem>>)
        %dma_wait3A_32 = arith.constant 0 : i32
        %dma_wait3A_33 = tpu.memref_slice %arg9[%add3A_11, %dma_wait3A_32] : memref<320000x128xf32, #tpu.memory_space<hbm>> -> memref<80x128xf32, #tpu.memory_space<hbm>>
        %dma_wait3A_34 = arith.constant 0 : i32
        %dma_wait3A_35 = tpu.memref_slice %arg9[%add3A_11, %dma_wait3A_34] : memref<320000x128xf32, #tpu.memory_space<hbm>> -> memref<80x128xf32, #tpu.memory_space<hbm>>
        tpu.wait_dma2 semaphore(%run_scoped3A : memref<!tpu.dma_semaphore, #tpu.memory_space<semaphore_mem>>) src(%arg14 : memref<80x128xf32, #tpu.memory_space<vmem>>) dst(%dma_wait3A_35 : memref<80x128xf32, #tpu.memory_space<hbm>>)
        tpu.yield
      }) : () -> ()
    }
    %scan3A_7 = arith.constant 125 : i32
    return
  }
}

module attributes {stable_mosaic.version = 14 : i64} {
  func.func @_nodeproj_body(%arg0: i32, %arg1: memref<400x128xf32, #tpu.memory_space<vmem>>, %arg2: memref<128x384xf32, #tpu.memory_space<vmem>>, %arg3: memref<1x384xf32, #tpu.memory_space<vmem>>, %arg4: memref<400x128xf32, #tpu.memory_space<vmem>>, %arg5: memref<400x128xf32, #tpu.memory_space<vmem>>, %arg6: memref<400x128xf32, #tpu.memory_space<vmem>>) attributes {dimension_semantics = [#tpu.dimension_semantics<arbitrary>], iteration_bounds = array<i64: 25>, scalar_prefetch = 0 : i64, scratch_operands = 0 : i64, tpu.core_type = #tpu.core_type<tc>, window_params = [{transform_indices = @transform_0, window_bounds = array<i64: 400, 128>}, {pipeline_mode = #tpu.pipeline_mode<synchronous>, transform_indices = @transform_1, window_bounds = array<i64: 128, 384>}, {pipeline_mode = #tpu.pipeline_mode<synchronous>, transform_indices = @transform_2, window_bounds = array<i64: 1, 384>}, {transform_indices = @transform_3, window_bounds = array<i64: 400, 128>}, {transform_indices = @transform_4, window_bounds = array<i64: 400, 128>}, {transform_indices = @transform_5, window_bounds = array<i64: 400, 128>}]} {
    %get3A = arith.constant 0 : index
    %get3A_0 = arith.constant 0 : index
    %get3A_1 = vector.load %arg1[%get3A, %get3A_0] : memref<400x128xf32, #tpu.memory_space<vmem>>, vector<400x128xf32>
    %get3A_2 = arith.constant 0 : index
    %get3A_3 = arith.constant 0 : index
    %get3A_4 = vector.load %arg2[%get3A_2, %get3A_3] : memref<128x384xf32, #tpu.memory_space<vmem>>, vector<128x384xf32>
    %dot_general3A = arith.constant dense<0.000000e+00> : vector<400x384xf32>
    %dot_general3A_5 = tpu.matmul %get3A_1, %get3A_4, %dot_general3A {dimension_numbers = #tpu.dot_dimension_numbers<[1], [0], [0], [1], [0, 0, 1, 1], [], []>, transpose_lhs_hint = false} : vector<400x128xf32>, vector<128x384xf32>, vector<400x384xf32> -> vector<400x384xf32>
    %get3A_6 = arith.constant 0 : index
    %get3A_7 = arith.constant 0 : index
    %get3A_8 = vector.load %arg3[%get3A_6, %get3A_7] : memref<1x384xf32, #tpu.memory_space<vmem>>, vector<1x384xf32>
    %add3A = vector.broadcast %get3A_8 : vector<1x384xf32> to vector<400x384xf32>
    %add3A_9 = arith.addf %dot_general3A_5, %add3A : vector<400x384xf32>
    %slice3A = vector.extract_strided_slice %add3A_9 {offsets = [0, 0], sizes = [400, 128], strides = [1, 1]} : vector<400x384xf32> to vector<400x128xf32>
    %swap3A = arith.constant 0 : index
    %swap3A_10 = arith.constant 0 : index
    %swap3A_11 = vector.load %arg4[%swap3A, %swap3A_10] : memref<400x128xf32, #tpu.memory_space<vmem>>, vector<400x128xf32>
    tpu.vector_store %arg4[%swap3A, %swap3A_10], %slice3A {strides = array<i32>} : memref<400x128xf32, #tpu.memory_space<vmem>>, vector<400x128xf32>,
    %slice3A_12 = vector.extract_strided_slice %add3A_9 {offsets = [0, 128], sizes = [400, 128], strides = [1, 1]} : vector<400x384xf32> to vector<400x128xf32>
    %swap3A_13 = arith.constant 0 : index
    %swap3A_14 = arith.constant 0 : index
    %swap3A_15 = vector.load %arg5[%swap3A_13, %swap3A_14] : memref<400x128xf32, #tpu.memory_space<vmem>>, vector<400x128xf32>
    tpu.vector_store %arg5[%swap3A_13, %swap3A_14], %slice3A_12 {strides = array<i32>} : memref<400x128xf32, #tpu.memory_space<vmem>>, vector<400x128xf32>,
    %slice3A_16 = vector.extract_strided_slice %add3A_9 {offsets = [0, 256], sizes = [400, 128], strides = [1, 1]} : vector<400x384xf32> to vector<400x128xf32>
    %swap3A_17 = arith.constant 0 : index
    %swap3A_18 = arith.constant 0 : index
    %swap3A_19 = vector.load %arg6[%swap3A_17, %swap3A_18] : memref<400x128xf32, #tpu.memory_space<vmem>>, vector<400x128xf32>
    tpu.vector_store %arg6[%swap3A_17, %swap3A_18], %slice3A_16 {strides = array<i32>} : memref<400x128xf32, #tpu.memory_space<vmem>>, vector<400x128xf32>,
    return
  }
  func.func @transform_0(%arg0: i32) -> (i32, i32) {
    %c0_i32 = arith.constant 0 : i32
    %c0_i32_0 = arith.constant 0 : i32
    return %arg0, %c0_i32 : i32, i32
  }
  func.func @transform_1(%arg0: i32) -> (i32, i32) {
    %c0_i32 = arith.constant 0 : i32
    %c0_i32_0 = arith.constant 0 : i32
    %c0_i32_1 = arith.constant 0 : i32
    return %c0_i32, %c0_i32_0 : i32, i32
  }
  func.func @transform_2(%arg0: i32) -> (i32, i32) {
    %c0_i32 = arith.constant 0 : i32
    %c0_i32_0 = arith.constant 0 : i32
    %c0_i32_1 = arith.constant 0 : i32
    return %c0_i32, %c0_i32_0 : i32, i32
  }
  func.func @transform_3(%arg0: i32) -> (i32, i32) {
    %c0_i32 = arith.constant 0 : i32
    %c0_i32_0 = arith.constant 0 : i32
    return %arg0, %c0_i32 : i32, i32
  }
  func.func @transform_4(%arg0: i32) -> (i32, i32) {
    %c0_i32 = arith.constant 0 : i32
    %c0_i32_0 = arith.constant 0 : i32
    return %arg0, %c0_i32 : i32, i32
  }
  func.func @transform_5(%arg0: i32) -> (i32, i32) {
    %c0_i32 = arith.constant 0 : i32
    %c0_i32_0 = arith.constant 0 : i32
    return %arg0, %c0_i32 : i32, i32
  }
}

module attributes {stable_mosaic.version = 14 : i64} {
  func.func @_edge_body(%arg0: i32, %arg1: memref<512x128xf32, #tpu.memory_space<vmem>>, %arg2: memref<512x128xf32, #tpu.memory_space<vmem>>, %arg3: memref<512x128xf32, #tpu.memory_space<vmem>>, %arg4: memref<512x16xf32, #tpu.memory_space<vmem>>, %arg5: memref<512x1xf32, #tpu.memory_space<vmem>>, %arg6: memref<16x64xf32, #tpu.memory_space<vmem>>, %arg7: memref<1x64xf32, #tpu.memory_space<vmem>>, %arg8: memref<64x64xf32, #tpu.memory_space<vmem>>, %arg9: memref<1x64xf32, #tpu.memory_space<vmem>>, %arg10: memref<64x128xf32, #tpu.memory_space<vmem>>, %arg11: memref<128x256xf32, #tpu.memory_space<vmem>>, %arg12: memref<1x256xf32, #tpu.memory_space<vmem>>, %arg13: memref<128x4xf32, #tpu.memory_space<vmem>>, %arg14: memref<512x128xf32, #tpu.memory_space<vmem>>, %arg15: memref<512x128xf32, #tpu.memory_space<vmem>>) attributes {dimension_semantics = [#tpu.dimension_semantics<arbitrary>], iteration_bounds = array<i64: 625>, scalar_prefetch = 0 : i64, scratch_operands = 0 : i64, tpu.core_type = #tpu.core_type<tc>, window_params = [{transform_indices = @transform_0, window_bounds = array<i64: 512, 128>}, {transform_indices = @transform_1, window_bounds = array<i64: 512, 128>}, {transform_indices = @transform_2, window_bounds = array<i64: 512, 128>}, {transform_indices = @transform_3, window_bounds = array<i64: 512, 16>}, {transform_indices = @transform_4, window_bounds = array<i64: 512, 1>}, {pipeline_mode = #tpu.pipeline_mode<synchronous>, transform_indices = @transform_5, window_bounds = array<i64: 16, 64>}, {pipeline_mode = #tpu.pipeline_mode<synchronous>, transform_indices = @transform_6, window_bounds = array<i64: 1, 64>}, {pipeline_mode = #tpu.pipeline_mode<synchronous>, transform_indices = @transform_7, window_bounds = array<i64: 64, 64>}, {pipeline_mode = #tpu.pipeline_mode<synchronous>, transform_indices = @transform_8, window_bounds = array<i64: 1, 64>}, {pipeline_mode = #tpu.pipeline_mode<synchronous>, transform_indices = @transform_9, window_bounds = array<i64: 64, 128>}, {pipeline_mode = #tpu.pipeline_mode<synchronous>, transform_indices = @transform_10, window_bounds = array<i64: 128, 256>}, {pipeline_mode = #tpu.pipeline_mode<synchronous>, transform_indices = @transform_11, window_bounds = array<i64: 1, 256>}, {pipeline_mode = #tpu.pipeline_mode<synchronous>, transform_indices = @transform_12, window_bounds = array<i64: 128, 4>}, {transform_indices = @transform_13, window_bounds = array<i64: 512, 128>}, {transform_indices = @transform_14, window_bounds = array<i64: 512, 128>}]} {
    %get3A = arith.constant 0 : index
    %get3A_0 = arith.constant 0 : index
    %get3A_1 = vector.load %arg1[%get3A, %get3A_0] : memref<512x128xf32, #tpu.memory_space<vmem>>, vector<512x128xf32>
    %get3A_2 = arith.constant 0 : index
    %get3A_3 = arith.constant 0 : index
    %get3A_4 = vector.load %arg2[%get3A_2, %get3A_3] : memref<512x128xf32, #tpu.memory_space<vmem>>, vector<512x128xf32>
    %add3A = arith.addf %get3A_1, %get3A_4 : vector<512x128xf32>
    %get3A_5 = arith.constant 0 : index
    %get3A_6 = arith.constant 0 : index
    %get3A_7 = vector.load %arg3[%get3A_5, %get3A_6] : memref<512x128xf32, #tpu.memory_space<vmem>>, vector<512x128xf32>
    %get3A_8 = arith.constant 0 : index
    %get3A_9 = arith.constant 0 : index
    %get3A_10 = vector.load %arg4[%get3A_8, %get3A_9] : memref<512x16xf32, #tpu.memory_space<vmem>>, vector<512x16xf32>
    %get3A_11 = arith.constant 0 : index
    %get3A_12 = arith.constant 0 : index
    %get3A_13 = vector.load %arg6[%get3A_11, %get3A_12] : memref<16x64xf32, #tpu.memory_space<vmem>>, vector<16x64xf32>
    %dot_general3A = arith.constant dense<0.000000e+00> : vector<512x64xf32>
    %dot_general3A_14 = tpu.matmul %get3A_10, %get3A_13, %dot_general3A {dimension_numbers = #tpu.dot_dimension_numbers<[1], [0], [0], [1], [0, 0, 1, 1], [], []>, transpose_lhs_hint = false} : vector<512x16xf32>, vector<16x64xf32>, vector<512x64xf32> -> vector<512x64xf32>
    %get3A_15 = arith.constant 0 : index
    %get3A_16 = arith.constant 0 : index
    %get3A_17 = vector.load %arg7[%get3A_15, %get3A_16] : memref<1x64xf32, #tpu.memory_space<vmem>>, vector<1x64xf32>
    %add3A_18 = vector.broadcast %get3A_17 : vector<1x64xf32> to vector<512x64xf32>
    %add3A_19 = arith.addf %dot_general3A_14, %add3A_18 : vector<512x64xf32>
    %logistic3A = arith.negf %add3A_19 : vector<512x64xf32>
    %logistic3A_20 = math.exp %logistic3A : vector<512x64xf32>
    %logistic3A_21 = arith.constant 1.000000e+00 : f32
    %logistic3A_22 = vector.broadcast %logistic3A_21 : f32 to vector<512x64xf32>
    %logistic3A_23 = arith.addf %logistic3A_22, %logistic3A_20 : vector<512x64xf32>
    %logistic3A_24 = arith.divf %logistic3A_22, %logistic3A_23 : vector<512x64xf32>
    %mul3A = arith.mulf %add3A_19, %logistic3A_24 : vector<512x64xf32>
    %get3A_25 = arith.constant 0 : index
    %get3A_26 = arith.constant 0 : index
    %get3A_27 = vector.load %arg8[%get3A_25, %get3A_26] : memref<64x64xf32, #tpu.memory_space<vmem>>, vector<64x64xf32>
    %dot_general3A_28 = arith.constant dense<0.000000e+00> : vector<512x64xf32>
    %dot_general3A_29 = tpu.matmul %mul3A, %get3A_27, %dot_general3A_28 {dimension_numbers = #tpu.dot_dimension_numbers<[1], [0], [0], [1], [0, 0, 1, 1], [], []>, transpose_lhs_hint = false} : vector<512x64xf32>, vector<64x64xf32>, vector<512x64xf32> -> vector<512x64xf32>
    %get3A_30 = arith.constant 0 : index
    %get3A_31 = arith.constant 0 : index
    %get3A_32 = vector.load %arg9[%get3A_30, %get3A_31] : memref<1x64xf32, #tpu.memory_space<vmem>>, vector<1x64xf32>
    %add3A_33 = vector.broadcast %get3A_32 : vector<1x64xf32> to vector<512x64xf32>
    %add3A_34 = arith.addf %dot_general3A_29, %add3A_33 : vector<512x64xf32>
    %logistic3A_35 = arith.negf %add3A_34 : vector<512x64xf32>
    %logistic3A_36 = math.exp %logistic3A_35 : vector<512x64xf32>
    %logistic3A_37 = arith.constant 1.000000e+00 : f32
    %logistic3A_38 = vector.broadcast %logistic3A_37 : f32 to vector<512x64xf32>
    %logistic3A_39 = arith.addf %logistic3A_38, %logistic3A_36 : vector<512x64xf32>
    %logistic3A_40 = arith.divf %logistic3A_38, %logistic3A_39 : vector<512x64xf32>
    %mul3A_41 = arith.mulf %add3A_34, %logistic3A_40 : vector<512x64xf32>
    %get3A_42 = arith.constant 0 : index
    %get3A_43 = arith.constant 0 : index
    %get3A_44 = vector.load %arg10[%get3A_42, %get3A_43] : memref<64x128xf32, #tpu.memory_space<vmem>>, vector<64x128xf32>
    %dot_general3A_45 = arith.constant dense<0.000000e+00> : vector<512x128xf32>
    %dot_general3A_46 = tpu.matmul %mul3A_41, %get3A_44, %dot_general3A_45 {dimension_numbers = #tpu.dot_dimension_numbers<[1], [0], [0], [1], [0, 0, 1, 1], [], []>, transpose_lhs_hint = false} : vector<512x64xf32>, vector<64x128xf32>, vector<512x128xf32> -> vector<512x128xf32>
    %get3A_47 = arith.constant 0 : index
    %get3A_48 = arith.constant 0 : index
    %get3A_49 = vector.load %arg5[%get3A_47, %get3A_48] : memref<512x1xf32, #tpu.memory_space<vmem>>, vector<512x1xf32>
    %mul3A_50 = vector.broadcast %get3A_49 : vector<512x1xf32> to vector<512x128xf32>
    %mul3A_51 = arith.mulf %add3A, %mul3A_50 : vector<512x128xf32>
    %mul3A_52 = arith.mulf %mul3A_51, %dot_general3A_46 : vector<512x128xf32>
    %get3A_53 = arith.constant 0 : index
    %get3A_54 = arith.constant 0 : index
    %get3A_55 = vector.load %arg11[%get3A_53, %get3A_54] : memref<128x256xf32, #tpu.memory_space<vmem>>, vector<128x256xf32>
    %dot_general3A_56 = arith.constant dense<0.000000e+00> : vector<512x256xf32>
    %dot_general3A_57 = tpu.matmul %mul3A_52, %get3A_55, %dot_general3A_56 {dimension_numbers = #tpu.dot_dimension_numbers<[1], [0], [0], [1], [0, 0, 1, 1], [], []>, transpose_lhs_hint = false} : vector<512x128xf32>, vector<128x256xf32>, vector<512x256xf32> -> vector<512x256xf32>
    %get3A_58 = arith.constant 0 : index
    %get3A_59 = arith.constant 0 : index
    %get3A_60 = vector.load %arg12[%get3A_58, %get3A_59] : memref<1x256xf32, #tpu.memory_space<vmem>>, vector<1x256xf32>
    %add3A_61 = vector.broadcast %get3A_60 : vector<1x256xf32> to vector<512x256xf32>
    %add3A_62 = arith.addf %dot_general3A_57, %add3A_61 : vector<512x256xf32>
    %slice3A = vector.extract_strided_slice %add3A_62 {offsets = [0, 0], sizes = [512, 128], strides = [1, 1]} : vector<512x256xf32> to vector<512x128xf32>
    %slice3A_63 = vector.extract_strided_slice %add3A_62 {offsets = [0, 128], sizes = [512, 128], strides = [1, 1]} : vector<512x256xf32> to vector<512x128xf32>
    %mul3A_64 = arith.mulf %get3A_7, %slice3A : vector<512x128xf32>
    %get3A_65 = arith.constant 0 : index
    %get3A_66 = arith.constant 0 : index
    %get3A_67 = vector.load %arg13[%get3A_65, %get3A_66] : memref<128x4xf32, #tpu.memory_space<vmem>>, vector<128x4xf32>
    %dot_general3A_68 = arith.constant dense<0.000000e+00> : vector<512x4xf32>
    %dot_general3A_69 = tpu.matmul %mul3A_64, %get3A_67, %dot_general3A_68 {dimension_numbers = #tpu.dot_dimension_numbers<[1], [0], [0], [1], [0, 0, 1, 1], [], []>, transpose_lhs_hint = false} : vector<512x128xf32>, vector<128x4xf32>, vector<512x4xf32> -> vector<512x4xf32>
    %exp3A = math.exp %dot_general3A_69 : vector<512x4xf32>
    %get3A_70 = arith.constant 0 : index
    %get3A_71 = arith.constant 0 : index
    %get3A_72 = vector.load %arg13[%get3A_70, %get3A_71] : memref<128x4xf32, #tpu.memory_space<vmem>>, vector<128x4xf32>
    %transpose3A = tpu.transpose %get3A_72, [1, 0] : vector<128x4xf32> -> vector<4x128xf32>
    %dot_general3A_73 = arith.constant dense<0.000000e+00> : vector<512x128xf32>
    %dot_general3A_74 = tpu.matmul %exp3A, %transpose3A, %dot_general3A_73 {dimension_numbers = #tpu.dot_dimension_numbers<[1], [0], [0], [1], [0, 0, 1, 1], [], []>, transpose_lhs_hint = false} : vector<512x4xf32>, vector<4x128xf32>, vector<512x128xf32> -> vector<512x128xf32>
    %mul3A_75 = arith.mulf %slice3A_63, %dot_general3A_74 : vector<512x128xf32>
    %swap3A = arith.constant 0 : index
    %swap3A_76 = arith.constant 0 : index
    %swap3A_77 = vector.load %arg14[%swap3A, %swap3A_76] : memref<512x128xf32, #tpu.memory_space<vmem>>, vector<512x128xf32>
    tpu.vector_store %arg14[%swap3A, %swap3A_76], %mul3A_75 {strides = array<i32>} : memref<512x128xf32, #tpu.memory_space<vmem>>, vector<512x128xf32>,
    %swap3A_78 = arith.constant 0 : index
    %swap3A_79 = arith.constant 0 : index
    %swap3A_80 = vector.load %arg15[%swap3A_78, %swap3A_79] : memref<512x128xf32, #tpu.memory_space<vmem>>, vector<512x128xf32>
    tpu.vector_store %arg15[%swap3A_78, %swap3A_79], %dot_general3A_74 {strides = array<i32>} : memref<512x128xf32, #tpu.memory_space<vmem>>, vector<512x128xf32>,
    return
  }
  func.func @transform_0(%arg0: i32) -> (i32, i32) {
    %c0_i32 = arith.constant 0 : i32
    %c0_i32_0 = arith.constant 0 : i32
    return %arg0, %c0_i32 : i32, i32
  }
  func.func @transform_1(%arg0: i32) -> (i32, i32) {
    %c0_i32 = arith.constant 0 : i32
    %c0_i32_0 = arith.constant 0 : i32
    return %arg0, %c0_i32 : i32, i32
  }
  func.func @transform_2(%arg0: i32) -> (i32, i32) {
    %c0_i32 = arith.constant 0 : i32
    %c0_i32_0 = arith.constant 0 : i32
    return %arg0, %c0_i32 : i32, i32
  }
  func.func @transform_3(%arg0: i32) -> (i32, i32) {
    %c0_i32 = arith.constant 0 : i32
    %c0_i32_0 = arith.constant 0 : i32
    return %arg0, %c0_i32 : i32, i32
  }
  func.func @transform_4(%arg0: i32) -> (i32, i32) {
    %c0_i32 = arith.constant 0 : i32
    %c0_i32_0 = arith.constant 0 : i32
    return %arg0, %c0_i32 : i32, i32
  }
  func.func @transform_5(%arg0: i32) -> (i32, i32) {
    %c0_i32 = arith.constant 0 : i32
    %c0_i32_0 = arith.constant 0 : i32
    %c0_i32_1 = arith.constant 0 : i32
    return %c0_i32, %c0_i32_0 : i32, i32
  }
  func.func @transform_6(%arg0: i32) -> (i32, i32) {
    %c0_i32 = arith.constant 0 : i32
    %c0_i32_0 = arith.constant 0 : i32
    %c0_i32_1 = arith.constant 0 : i32
    return %c0_i32, %c0_i32_0 : i32, i32
  }
  func.func @transform_7(%arg0: i32) -> (i32, i32) {
    %c0_i32 = arith.constant 0 : i32
    %c0_i32_0 = arith.constant 0 : i32
    %c0_i32_1 = arith.constant 0 : i32
    return %c0_i32, %c0_i32_0 : i32, i32
  }
  func.func @transform_8(%arg0: i32) -> (i32, i32) {
    %c0_i32 = arith.constant 0 : i32
    %c0_i32_0 = arith.constant 0 : i32
    %c0_i32_1 = arith.constant 0 : i32
    return %c0_i32, %c0_i32_0 : i32, i32
  }
  func.func @transform_9(%arg0: i32) -> (i32, i32) {
    %c0_i32 = arith.constant 0 : i32
    %c0_i32_0 = arith.constant 0 : i32
    %c0_i32_1 = arith.constant 0 : i32
    return %c0_i32, %c0_i32_0 : i32, i32
  }
  func.func @transform_10(%arg0: i32) -> (i32, i32) {
    %c0_i32 = arith.constant 0 : i32
    %c0_i32_0 = arith.constant 0 : i32
    %c0_i32_1 = arith.constant 0 : i32
    return %c0_i32, %c0_i32_0 : i32, i32
  }
  func.func @transform_11(%arg0: i32) -> (i32, i32) {
    %c0_i32 = arith.constant 0 : i32
    %c0_i32_0 = arith.constant 0 : i32
    %c0_i32_1 = arith.constant 0 : i32
    return %c0_i32, %c0_i32_0 : i32, i32
  }
  func.func @transform_12(%arg0: i32) -> (i32, i32) {
    %c0_i32 = arith.constant 0 : i32
    %c0_i32_0 = arith.constant 0 : i32
    %c0_i32_1 = arith.constant 0 : i32
    return %c0_i32, %c0_i32_0 : i32, i32
  }
  func.func @transform_13(%arg0: i32) -> (i32, i32) {
    %c0_i32 = arith.constant 0 : i32
    %c0_i32_0 = arith.constant 0 : i32
    return %arg0, %c0_i32 : i32, i32
  }
  func.func @transform_14(%arg0: i32) -> (i32, i32) {
    %c0_i32 = arith.constant 0 : i32
    %c0_i32_0 = arith.constant 0 : i32
    return %arg0, %c0_i32 : i32, i32
  }
}

module attributes {stable_mosaic.version = 14 : i64} {
  func.func @_combine_body(%arg0: i32, %arg1: memref<80x128xf32, #tpu.memory_space<vmem>>, %arg2: memref<80x128xf32, #tpu.memory_space<vmem>>, %arg3: memref<80x128xf32, #tpu.memory_space<vmem>>, %arg4: memref<80x128xf32, #tpu.memory_space<vmem>>, %arg5: memref<128x128xf32, #tpu.memory_space<vmem>>, %arg6: memref<1x128xf32, #tpu.memory_space<vmem>>, %arg7: memref<80x128xf32, #tpu.memory_space<vmem>>) attributes {dimension_semantics = [#tpu.dimension_semantics<arbitrary>], iteration_bounds = array<i64: 125>, scalar_prefetch = 0 : i64, scratch_operands = 0 : i64, tpu.core_type = #tpu.core_type<tc>, window_params = [{transform_indices = @transform_0, window_bounds = array<i64: 80, 128>}, {transform_indices = @transform_1, window_bounds = array<i64: 80, 128>}, {transform_indices = @transform_2, window_bounds = array<i64: 80, 128>}, {transform_indices = @transform_3, window_bounds = array<i64: 80, 128>}, {pipeline_mode = #tpu.pipeline_mode<synchronous>, transform_indices = @transform_4, window_bounds = array<i64: 128, 128>}, {pipeline_mode = #tpu.pipeline_mode<synchronous>, transform_indices = @transform_5, window_bounds = array<i64: 1, 128>}, {transform_indices = @transform_6, window_bounds = array<i64: 80, 128>}]} {
    %get3A = arith.constant 0 : index
    %get3A_0 = arith.constant 0 : index
    %get3A_1 = vector.load %arg3[%get3A, %get3A_0] : memref<80x128xf32, #tpu.memory_space<vmem>>, vector<80x128xf32>
    %get3A_2 = arith.constant 0 : index
    %get3A_3 = arith.constant 0 : index
    %get3A_4 = vector.load %arg4[%get3A_2, %get3A_3] : memref<80x128xf32, #tpu.memory_space<vmem>>, vector<80x128xf32>
    %add3A = arith.addf %get3A_1, %get3A_4 : vector<80x128xf32>
    %get3A_5 = arith.constant 0 : index
    %get3A_6 = arith.constant 0 : index
    %get3A_7 = vector.load %arg1[%get3A_5, %get3A_6] : memref<80x128xf32, #tpu.memory_space<vmem>>, vector<80x128xf32>
    %get3A_8 = arith.constant 0 : index
    %get3A_9 = arith.constant 0 : index
    %get3A_10 = vector.load %arg2[%get3A_8, %get3A_9] : memref<80x128xf32, #tpu.memory_space<vmem>>, vector<80x128xf32>
    %add3A_11 = arith.addf %get3A_7, %get3A_10 : vector<80x128xf32>
    %add3A_12 = arith.constant 1.000000e-16 : f32
    %add3A_13 = vector.broadcast %add3A_12 : f32 to vector<80x128xf32>
    %add3A_14 = arith.addf %add3A, %add3A_13 : vector<80x128xf32>
    %div3A = arith.divf %add3A_11, %add3A_14 : vector<80x128xf32>
    %get3A_15 = arith.constant 0 : index
    %get3A_16 = arith.constant 0 : index
    %get3A_17 = vector.load %arg5[%get3A_15, %get3A_16] : memref<128x128xf32, #tpu.memory_space<vmem>>, vector<128x128xf32>
    %dot_general3A = arith.constant dense<0.000000e+00> : vector<80x128xf32>
    %dot_general3A_18 = tpu.matmul %div3A, %get3A_17, %dot_general3A {dimension_numbers = #tpu.dot_dimension_numbers<[1], [0], [0], [1], [0, 0, 1, 1], [], []>, transpose_lhs_hint = false} : vector<80x128xf32>, vector<128x128xf32>, vector<80x128xf32> -> vector<80x128xf32>
    %get3A_19 = arith.constant 0 : index
    %get3A_20 = arith.constant 0 : index
    %get3A_21 = vector.load %arg6[%get3A_19, %get3A_20] : memref<1x128xf32, #tpu.memory_space<vmem>>, vector<1x128xf32>
    %add3A_22 = vector.broadcast %get3A_21 : vector<1x128xf32> to vector<80x128xf32>
    %add3A_23 = arith.addf %dot_general3A_18, %add3A_22 : vector<80x128xf32>
    %swap3A = arith.constant 0 : index
    %swap3A_24 = arith.constant 0 : index
    %swap3A_25 = vector.load %arg7[%swap3A, %swap3A_24] : memref<80x128xf32, #tpu.memory_space<vmem>>, vector<80x128xf32>
    tpu.vector_store %arg7[%swap3A, %swap3A_24], %add3A_23 {strides = array<i32>} : memref<80x128xf32, #tpu.memory_space<vmem>>, vector<80x128xf32>,
    return
  }
  func.func @transform_0(%arg0: i32) -> (i32, i32) {
    %c0_i32 = arith.constant 0 : i32
    %c0_i32_0 = arith.constant 0 : i32
    return %arg0, %c0_i32 : i32, i32
  }
  func.func @transform_1(%arg0: i32) -> (i32, i32) {
    %add3A = arith.constant 128 : i32
    %add3A_0 = arith.addi %arg0, %add3A : i32
    %c0_i32 = arith.constant 0 : i32
    %c0_i32_1 = arith.constant 0 : i32
    return %add3A_0, %c0_i32 : i32, i32
  }
  func.func @transform_2(%arg0: i32) -> (i32, i32) {
    %c0_i32 = arith.constant 0 : i32
    %c0_i32_0 = arith.constant 0 : i32
    return %arg0, %c0_i32 : i32, i32
  }
  func.func @transform_3(%arg0: i32) -> (i32, i32) {
    %add3A = arith.constant 128 : i32
    %add3A_0 = arith.addi %arg0, %add3A : i32
    %c0_i32 = arith.constant 0 : i32
    %c0_i32_1 = arith.constant 0 : i32
    return %add3A_0, %c0_i32 : i32, i32
  }
  func.func @transform_4(%arg0: i32) -> (i32, i32) {
    %c0_i32 = arith.constant 0 : i32
    %c0_i32_0 = arith.constant 0 : i32
    %c0_i32_1 = arith.constant 0 : i32
    return %c0_i32, %c0_i32_0 : i32, i32
  }
  func.func @transform_5(%arg0: i32) -> (i32, i32) {
    %c0_i32 = arith.constant 0 : i32
    %c0_i32_0 = arith.constant 0 : i32
    %c0_i32_1 = arith.constant 0 : i32
    return %c0_i32, %c0_i32_0 : i32, i32
  }
  func.func @transform_6(%arg0: i32) -> (i32, i32) {
    %c0_i32 = arith.constant 0 : i32
    %c0_i32_0 = arith.constant 0 : i32
    return %arg0, %c0_i32 : i32, i32
  }
}

</mosaic_0001>

<sc_bundles>
// kernel: kernel.10.cloned.1.call-start
scs
__scs_entry_jumppad:
0x0: {  	(pc) =	sbr.rel $0x88, $3  }
0x1: {  	(tag) =	ssettag $0x0;
	lr =	simm.s32 $0x1  }
0x2: {  	[smem:$0x3F8E] =	sst lr;
	_ =	strace $0xD0000000  }
0x3: {  	_ = 	snop  }
0x4: {  	_ = 	snop  }
0x5: {  	_ = 	snop  }
0x6: {  	_ = 	snop  }
0x7: {  	_ = 	snop  }
__scs_overlays_trampoline_lowered:
0x8: {  	[smem:$0x3F9D] =	sst s0  }
0x9: {  	[smem:$0x3F9E] =	sst s1  }
0xa: {  	[smem:$0x3F9F] =	sst s2  }
0xb: {  	[smem:$0x3FA0] =	sst s3  }
0xc: {  	[smem:$0x3FA1] =	sst s4  }
0xd: {  	[smem:$0x3FA2] =	sst s5  }
0xe: {  	[smem:$0x3FA3] =	sst s6  }
0xf: {  	[smem:$0x3FA4] =	sst s7  }
0x10: {  	[smem:$0x3FA5] =	sst s8  }
0x11: {  	[smem:$0x3FA6] =	sst s9;
	s0 =	simm.s32 @!p0 $0x0  }
0x12: {  	s1 =	sld [smem:$0x3F8C];
	s0 =	simm.s32 @p0 $0x1  }
0x13: {  	[smem:$0x3FA7] =	sst s0;
	s0 =	simm.s32 @!p1 $0x0  }
0x14: {  	s2 =	sld [smem:$0x3F8B];
	s0 =	simm.s32 @p1 $0x1  }
0x15: {  	[smem:$0x3FA8] =	sst s0;
	s0 =	simm.s32 @!p2 $0x0  }
0x16: {  	s3 =	sld [smem:$0x3FDB];
	s0 =	simm.s32 @p2 $0x1  }
0x17: {  	s4 =	simm.s32 $0x1BF5;
	[smem:$0x3FAA] =	sst s0  }
0x18: {  	s0 =	sld [smem:$0x3F8D];
	_ =	swait.ge [sflag:s4], $0x0  }
0x19: {  	s7 =	sld [smem:$0x3F8E]  }
0x1a: {  	s8 =	sadd.s32 $0xFFFFE003, lr  }
0x1b: {  	s9 =	sadd.s32 $0xFFFFFEF7, lr;
	s5 =	simm.s32 $0xFFFFFFFF;
	p2 =	slt.u32 s8, $0xFFFFF086  }
0x1c: {  	p1 =	slt.u32 s9, $0xF7A;
	s5 =	simm.s32 @!p2 $0x0  }
0x1d: {  	s5 =	simm.s32 @p1 $0x1;
	p0 =	seq.s32 s7, s2  }
0x1e: {  	s7 =	smul.u32 @!p0 $0xF7A, s2;
	p2 =	seq.s32 @!p0 s5, $0x0  }
0x1f: {  	s9 =	smul.u32 $0xF7A, s1;
	s8 =	simm.s32 @!p0 $0x1BF5;
	p2 =	por !p2, p0  }
0x20: {  	[sflag:s8] =	ssyncset.s32 @!p0 $0xFFFFF086;
	s6 =	sadd.s32 @!p0 s3, s7;
	s7 =	simm.s32 @!p0 $0x108  }
0x21: {  	s3 =	sadd.s32 s3, s9;
	s6 =	sadd.s32 @!p0 $0x88, s6;
	s7 =	simm.s32 @p2 $0x1082  }
0x22: {  	[simem:s7], [sflag:s8] =	dma.local @!p0 [hbm:s6], $0xF7A  }
0x23: {  	s9 =	sor.u32 $0xD0000000, s2;
	s6 =	simm.s32 $0x108;
	_ =	swait.ge @!p0 [sflag:s8], $0x0  }
0x24: {  	s3 =	sadd.s32 $0x88, s3;
	s6 =	simm.s32 @!p1 $0x1082;
	[sflag:s4] =	ssyncset.s32 $0xFFFFF086  }
0x25: {  	[simem:s6], [sflag:s4] =	dma.local [hbm:s3], $0xF7A  }
0x26: {  	[smem:$0x3F8E] =	sst s1;
	(tag) =	ssettag s2;
	_ =	strace s9  }
0x27: {  	s1 =	sld [smem:$0x3F9E]  }
0x28: {  	s2 =	sld [smem:$0x3F9F]  }
0x29: {  	s4 =	sld [smem:$0x3FA1]  }
0x2a: {  	p0 =	seq.s32 s5, $0x0;
	s5 =	sld [smem:$0x3FA2]  }
0x2b: {  	s6 =	sld [smem:$0x3FA3]  }
0x2c: {  	s7 =	sld [smem:$0x3FA4]  }
0x2d: {  	s3 =	simm.s32 $0x108;
	s8 =	sld [smem:$0x3FA5]  }
0x2e: {  	s3 =	simm.s32 @!p0 $0x1082;
	s9 =	sld [smem:$0x3FA6]  }
0x2f: {  	lr =	sadd.s32 s0, s3;
	s0 =	sld [smem:$0x3F9D]  }
0x30: {  	s3 =	sld [smem:$0x3FA0]  }
0x31: {  	[smem:$0x3FA9] =	sst s10  }
0x32: {  	s10 =	sld [smem:$0x3FA7];
	_ =	sdelay $0x3  }
0x33: {  	p0 =	seq.s32 s10, $0x1;
	s10 =	sld [smem:$0x3FA9];
	_ =	sdelay $0x3  }
0x34: {  	[smem:$0x3FA9] =	sst s10  }
0x35: {  	s10 =	sld [smem:$0x3FA8];
	_ =	sdelay $0x3  }
0x36: {  	p1 =	seq.s32 s10, $0x1;
	s10 =	sld [smem:$0x3FA9];
	_ =	sdelay $0x3  }
0x37: {  	[smem:$0x3FA9] =	sst s10  }
0x38: {  	s10 =	sld [smem:$0x3FAA]  }
0x39: {  	_ = 	snop;
	(pc) =	sbr.ind lr, $3  }
0x3a: {  	_ = 	snop  }
0x3b: {  	_ = 	snop  }
0x3c: {  	p2 =	seq.s32 s10, $0x1;
	s10 =	sld [smem:$0x3FA9]  }
0x3d: {  	_ =	shalt  }
0x3e: {  	_ =	shalt  }
0x3f: {  	_ =	shalt  }
0x40: {  	_ =	shalt  }
0x41: {  	_ =	shalt  }
0x42: {  	_ =	shalt  }
0x43: {  	_ =	shalt  }
0x44: {  	_ =	shalt  }
0x45: {  	_ =	shalt  }
0x46: {  	_ =	shalt  }
0x47: {  	_ =	shalt  }
0x48: {  	_ =	shalt  }
0x49: {  	_ =	shalt  }
0x4a: {  	_ =	shalt  }
0x4b: {  	_ =	shalt  }
0x4c: {  	_ =	shalt  }
0x4d: {  	_ =	shalt  }
0x4e: {  	_ =	shalt  }
0x4f: {  	_ =	shalt  }
0x50: {  	_ =	shalt  }
0x51: {  	_ =	shalt  }
0x52: {  	_ =	shalt  }
0x53: {  	_ =	shalt  }
0x54: {  	_ =	shalt  }
0x55: {  	_ =	shalt  }
0x56: {  	_ =	shalt  }
0x57: {  	_ =	shalt  }
0x58: {  	_ =	shalt  }
0x59: {  	_ =	shalt  }
0x5a: {  	_ =	shalt  }
0x5b: {  	_ =	shalt  }
0x5c: {  	_ =	shalt  }
0x5d: {  	_ =	shalt  }
0x5e: {  	_ =	shalt  }
0x5f: {  	_ =	shalt  }
0x60: {  	_ =	shalt  }
0x61: {  	_ =	shalt  }
0x62: {  	_ =	shalt  }
0x63: {  	_ =	shalt  }
0x64: {  	_ =	shalt  }
0x65: {  	_ =	shalt  }
0x66: {  	_ =	shalt  }
0x67: {  	_ =	shalt  }
0x68: {  	_ =	shalt  }
0x69: {  	_ =	shalt  }
0x6a: {  	_ =	shalt  }
0x6b: {  	_ =	shalt  }
0x6c: {  	_ =	shalt  }
0x6d: {  	_ =	shalt  }
0x6e: {  	_ =	shalt  }
0x6f: {  	_ =	shalt  }
0x70: {  	_ =	shalt  }
0x71: {  	_ =	shalt  }
0x72: {  	_ =	shalt  }
0x73: {  	_ =	shalt  }
0x74: {  	_ =	shalt  }
0x75: {  	_ =	shalt  }
0x76: {  	_ =	shalt  }
0x77: {  	_ =	shalt  }
0x78: {  	_ =	shalt  }
0x79: {  	_ =	shalt  }
0x7a: {  	_ =	shalt  }
0x7b: {  	_ =	shalt  }
0x7c: {  	_ =	shalt  }
0x7d: {  	_ =	shalt  }
0x7e: {  	_ =	shalt  }
0x7f: {  	_ =	shalt  }
0x80: {  	_ =	shalt  }
0x81: {  	_ =	shalt  }
0x82: {  	_ =	shalt  }
0x83: {  	_ =	shalt  }
0x84: {  	_ =	shalt  }
0x85: {  	_ =	shalt  }
0x86: {  	_ =	shalt  }
0x87: {  	_ =	shalt  }
.Lfunc_end0:
.L_simem_size_0:
called_computation.1_lowered:
.L_overlay_start_0:
0x88: {  	s2 =	sld [smem:$0x3FD9]  }
0x89: {  	s3 =	sld [smem:$0x3FFE];
	_ =	sdelay $0x1  }
0x8a: {  	s1 =	srdreg.scid  }
0x8b: {  	s0 =	sand.u32 $0x1, s1  }
0x8c: {  	s17 =	sshll.u32 s0, $0xA;
	s2 =	sadd.s32 s3, s2  }
0x8d: {  	s2 =	sadd.s32 s2, s17  }
0x8e: {  	[smem:$0x3FB5] =	sst s2  }
0x8f: {  	_ = 	snop  }
0x90: {  	s2 =	sld [smem:$0x3FC7];
	(tm) =	ssettm $0x1  }
0x91: {  	s18 =	sld [smem:$0x3FFB];
	_ =	sdelay $0x3  }
0x92: {  	_ =	strace s18  }
0x93: {  	s3 =	sld [smem:$0x3FFC];
	_ =	sdelay $0x3  }
0x94: {  	_ =	strace s3  }
0x95: {  	s3 =	sld [smem:$0x3FFD];
	_ =	sdelay $0x3  }
0x96: {  	_ =	strace s3  }
0x97: {  	_ =	strace $0x8FFFFFFF  }
0x98: {  	s19 =	sld [smem:$0x3FDB];
	_ =	sdelay $0x1  }
0x99: {  	s4 =	simm.s32 $_scs_section_size  }
0x9a: {  	s5 =	simm.s32 $_size__tile_overlayer_lowered;
	s6 =	simm.s32 $_tile_overlayer_lowered  }
0x9b: {  	s22 =	simm.s32 $0x1BFF;
	s21 =	sshll.u32 s6, $0x1;
	s3 =	sadd.s32 s4, s19  }
0x9c: {  	s7 =	simm.s32 $0x0;
	s20 =	sshll.u32 s5, $0x1;
	s5 =	sadd.s32 s21, s3  }
0x9d: {  	[timem:s7], [sflag:s22] =	dma.local [hbm:s5], s20  }
0x9e: {  	_ =	swait.ge [sflag:s22], s20  }
0x9f: {  	s4 =	ssub.s32 $0x0, s20;
	[sflag:s22] =	ssyncset.done $0x0  }
0xa0: {  	[sflag:s22] =	ssyncadd.s32 s4;
	_ =	sdelay $0x1  }
0xa1: {  	s23 =	simm.s32 $0x1B8B  }
0xa2: {  	_ =	swait.ge [sflag:s23], $0x1  }
0xa3: {  	[sflag:s23] =	ssyncset.done $0x0  }
0xa4: {  	s25 =	simm.s32 $0x1B8E;
	s24 =	sld [smem:$0x3FFE];
	[sflag:s23] =	ssyncadd.s32 $0xFFFFFFFF  }
0xa5: {  	s26 =	simm.s32 $execute0_lowered;
	[smem:$0x3FD2] =	sst s25  }
0xa6: {  	s5 =	sshll.u32 s26, $0x1;
	_ =	strace $0x80000049;
	[dreg:$0x1] =	wrdreg $0xFFFFFFFF  }
0xa7: {  	s28 =	simm.s32 $_size_execute0_lowered;
	s3 =	sadd.s32 s3, s5;
	[dreg:$0x0] =	wrdreg $0x0  }
0xa8: {  	s5 =	sshll.u32 s28, $0x1;
	[dreg:$0x2] =	wrdreg s3  }
0xa9: {  	[dreg:$0x3] =	wrdreg s5  }
0xaa: {  	[dreg:$0x4] =	wrdreg $0xC0  }
0xab: {  	_ =	task [dreg:s7], $0x5FFFF  }
0xac: {  	[dreg:$0x1] =	wrdreg $0xFFFFFFFF  }
0xad: {  	[dreg:$0x0] =	wrdreg $0x60  }
0xae: {  	[dreg:$0x2] =	wrdreg s24  }
0xaf: {  	[dreg:$0x3] =	wrdreg s2  }
0xb0: {  	[dreg:$0x4] =	wrdreg $0x28800  }
0xb1: {  	[dreg:$0x5] =	wrdreg $0x9  }
0xb2: {  	_ =	task.clear_ibuf [dreg:s7], $0x6FFFF;
	_ =	strace $0x90000049  }
0xb3: {  	s29 =	simm.s32 $0x9;
	_ =	strace $0x8000004B  }
0xb4: {  	_ =	swait.ge [sflag:s29], $0x1  }
0xb5: {  	[sflag:s29] =	ssyncadd.s32 $0xFFFFFFFF  }
0xb6: {  	_ =	strace $0x9000004B  }
0xb7: {  	_ =	sfence  }
0xb8: {  	s30 =	sld [smem:$0x0];
	_ =	sdelay $0x2  }
0xb9: {  	s31 =	sshll.u32 s1, $0xD;
	s1 =	sshrl.u32 s1, $0x2  }
0xba: {  	s3 =	sand.u32 $0x4000, s31;
	s1 =	sadd.s32 s1, s30  }
0xbb: {  	s0 =	sor.u32 s3, s0;
	s1 =	sshll.u32 s1, $0x11  }
0xbc: {  	s0 =	sor.u32 s1, s0  }
0xbd: {  	s0 =	sadd.s32 $0x8F2B, s0  }
0xbe: {  	[sflag:s0] =	ssyncadd.remote.s32 $0x1  }
0xbf: {  	_ =	sfence.sel $0xFFFF  }
0xc0: {  	[dreg:$0x0] =	wrdreg $0xFFFFFFFF;
	(pc) =	sbr.abs _section_cstart, $3  }
0xc1: {  	[dreg:$0x1] =	wrdreg $0xFFFFFFFF  }
0xc2: {  	_ =	task.clear_ibuf [dreg:s7], $0x2FFFF;
	_ =	strace $0x9FFFFFFF  }
0xc3: {  	(tm) =	ssettm $0x7FFFFFFF  }
tec
execute0_lowered:
.L_overlay_start_1:
0x0: {  	(tag) =	ssettag $0x1  }
0x1: {  	s4 =	rddreg [dreg:$0x0];
	s0 =	srdreg.scid  }
0x2: {  	s16 =	rddreg [dreg:$0x1];
	s5 =	sand.u32 $0x1, s0  }
0x3: {  	s0 =	stileid.u32;
	s6 =	smul.u32 $0x271000, s5  }
0x4: {  	s2 =	rddreg [dreg:$0x2];
	s7 =	smul.u32 $0x280, s0  }
0x5: {  	s1 =	rddreg [dreg:$0x3];
	s8 =	smul.u32 $0x2800, s5  }
0x6: {  	s3 =	simm.s32 $0x0;
	s19 =	simm.s32 $0x2800;
	s9 =	smul.u32 $0x27100, s5  }
0x7: {  	s20 =	simm.s32 $0x50;
	s21 =	simm.s32 $0x0;
	s26 =	smul.u32 $0x2710, s0  }
0x8: {  	[smem:$0x7FF] =	sst s3;
	s5 =	ssub.s32 $0x2, s5;
	s10 =	smul.u32 $0x50000, s0  }
0x9: {  	_ =	strace $0x8000004A;
	s15 =	smul.u32 $0x27100, s0;
	s29 =	sshrl.u32 s5, $0x1  }
0xa: {  	s7 =	sadd.s32 s7, s8;
	s14 =	sadd.s32 s6, s4;
	s30 =	ssub.s32 s5, s29  }
0xb: {  	s17 =	sadd.s32 s26, s9;
	s31 =	sshrl.u32 s10, $0x2;
	s7 =	sshll.u32 s7, $0x4  }
0xc: {  	s18 =	sadd.s32 s15, s14;
	s17 =	sshrl.u32 s17, $0x3;
	s28 =	sadd.s32 s7, s4  }
0xd: {  	s4 =	sadd.s32 s31, s2;
	s7 =	smax.u32 s30, $0x1;
	s15 =	sadd.s32 $0x18BCC00, s18  }
0xe: {  	s16 =	sadd.s32 s17, s16;
	s17 =	sadd.s32 $0x1D9EC00, s18;
	s18 =	simm.s32 $0x1  }
0xf: {  	s5 =	sadd.s32 $0x4800, s28;
	s6 =	sadd.s32 $0x54800, s28;
	s8 =	sadd.s32 $0x2800, s4  }
0x10: {  	s9 =	sadd.s32 $0x5000, s4;
	s10 =	sadd.s32 $0x7800, s4;
	s11 =	sadd.s32 $0xA000, s4  }
0x11: {  	v0 =	vimm.f32 $0.0e+00;
	s12 =	sadd.s32 $0xC800, s4;
	s13 =	sadd.s32 $0xF000, s4;
	s14 =	sadd.s32 $0x11800, s4  }
.LBB2_1:
0x12: {  	s22 =	simm.s32 $0x0;
	s23 =	simm.s32 $0x200  }
.LBB2_2:
0x13: {  	p0 =	sne.s32 s23, $0x9E00;
	[tilespmem:s22+$0x70] =	vst v0  }
0x14: {  	[tilespmem:s22+$0x0] =	vst v0  }
0x15: {  	[tilespmem:s22+$0x10] =	vst v0  }
.Ltmp0:
0x16: {  	[tilespmem:s22+$0x20] =	vst v0;
	(pc) =	sbr.rel @p0 .LBB2_2-.Ltmp0, $4  }
0x17: {  	[tilespmem:s22+$0x30] =	vst v0  }
0x18: {  	[tilespmem:s22+$0x40] =	vst v0  }
0x19: {  	[tilespmem:s22+$0x50] =	vst v0  }
0x1a: {  	[tilespmem:s22+$0x60] =	vst v0;
	s22 =	sshra.s32 s23, $0x2;
	s23 =	sadd.s32 $0x200, s23  }
0x1b: {  	[tilespmem:s22+$0x70] =	vst v0  }
0x1c: {  	[tilespmem:s22+$0x0] =	vst v0  }
0x1d: {  	[tilespmem:s22+$0x10] =	vst v0  }
0x1e: {  	[tilespmem:s22+$0x20] =	vst v0  }
0x1f: {  	[tilespmem:s22+$0x30] =	vst v0  }
0x20: {  	[tilespmem:s22+$0x40] =	vst v0  }
0x21: {  	[tilespmem:s22+$0x50] =	vst v0  }
0x22: {  	[tilespmem:s22+$0x60] =	vst v0;
	s30 =	simm.s32 $0x0  }
0x23: {  	[spmem:s4] =	stream.linear.scatter [tilespmem:s30], [sflag:$0x1], $0x2800, $0x38;
	[tilespmem:$0x16880] =	vst v63  }
0x24: {  	_ =	swait.ge [sflag:s18], $0x2800  }
0x25: {  	[sflag:s18] =	ssyncset.done $0x0  }
0x26: {  	[sflag:s18] =	ssyncadd.s32 $0xFFFFD800  }
0x27: {  	[spmem:s8] =	stream.linear.scatter [tilespmem:s30], [sflag:$0x1], $0x2800, $0x38;
	[tilespmem:$0x16880] =	vst v63  }
0x28: {  	_ =	swait.ge [sflag:s18], $0x2800  }
0x29: {  	[sflag:s18] =	ssyncset.done $0x0  }
0x2a: {  	[sflag:s18] =	ssyncadd.s32 $0xFFFFD800  }
0x2b: {  	[spmem:s9] =	stream.linear.scatter [tilespmem:s30], [sflag:$0x1], $0x2800, $0x38;
	[tilespmem:$0x16880] =	vst v63  }
0x2c: {  	_ =	swait.ge [sflag:s18], $0x2800  }
0x2d: {  	[sflag:s18] =	ssyncset.done $0x0  }
0x2e: {  	[sflag:s18] =	ssyncadd.s32 $0xFFFFD800  }
0x2f: {  	[spmem:s10] =	stream.linear.scatter [tilespmem:s30], [sflag:$0x1], $0x2800, $0x38;
	[tilespmem:$0x16880] =	vst v63  }
0x30: {  	_ =	swait.ge [sflag:s18], $0x2800  }
0x31: {  	[sflag:s18] =	ssyncset.done $0x0  }
0x32: {  	[sflag:s18] =	ssyncadd.s32 $0xFFFFD800  }
0x33: {  	[spmem:s11] =	stream.linear.scatter [tilespmem:s30], [sflag:$0x1], $0x2800, $0x38;
	[tilespmem:$0x16880] =	vst v63  }
0x34: {  	_ =	swait.ge [sflag:s18], $0x2800  }
0x35: {  	[sflag:s18] =	ssyncset.done $0x0  }
0x36: {  	[sflag:s18] =	ssyncadd.s32 $0xFFFFD800  }
0x37: {  	[spmem:s12] =	stream.linear.scatter [tilespmem:s30], [sflag:$0x1], $0x2800, $0x38;
	[tilespmem:$0x16880] =	vst v63  }
0x38: {  	_ =	swait.ge [sflag:s18], $0x2800  }
0x39: {  	[sflag:s18] =	ssyncset.done $0x0  }
0x3a: {  	[sflag:s18] =	ssyncadd.s32 $0xFFFFD800  }
0x3b: {  	[spmem:s13] =	stream.linear.scatter [tilespmem:s30], [sflag:$0x1], $0x2800, $0x38;
	[tilespmem:$0x16880] =	vst v63  }
0x3c: {  	_ =	swait.ge [sflag:s18], $0x2800  }
0x3d: {  	[sflag:s18] =	ssyncset.done $0x0  }
0x3e: {  	[sflag:s18] =	ssyncadd.s32 $0xFFFFD800  }
0x3f: {  	[spmem:s14] =	stream.linear.scatter [tilespmem:s30], [sflag:$0x1], $0x2800, $0x38;
	[tilespmem:$0x16880] =	vst v63  }
0x40: {  	_ =	swait.ge [sflag:s18], $0x2800  }
0x41: {  	[sflag:s18] =	ssyncset.done $0x0  }
0x42: {  	[sflag:s18] =	ssyncadd.s32 $0xFFFFD800  }
0x43: {  	s31 =	sadd.s32 $0x0, s16;
	[bflag:$0x0] =	sbarrier.arrive $0xFFFF  }
0x44: {  	[tilespmem:s19], [sflag:$0x1] =	stream.linear.gather [hbm4b:s31+s3], $0x50, $0x38;
	[tilespmem:$0x16880] =	vst v63  }
0x45: {  	_ =	swait.ge [sflag:s18], $0x50  }
0x46: {  	[sflag:s18] =	ssyncset.done $0x0  }
0x47: {  	[sflag:s18] =	ssyncadd.s32 $0xFFFFFFB0  }
0x48: {  	[tilespmem:s3], [sflag:$0x1] =	stream.linear.gather [hbm4b:s15+s3], $0x2800, $0x38;
	[tilespmem:$0x16880] =	vst v63  }
0x49: {  	_ =	swait.ge [sflag:s18], $0x2800  }
0x4a: {  	[sflag:s18] =	ssyncset.done $0x0  }
0x4b: {  	[sflag:s18] =	ssyncadd.s32 $0xFFFFD800  }
0x4c: {  	[spmem:s2] =	stream.indirect.scatter.add.f32 [tilespmem:s3], [sflag:$0x1], $0x80, s19, s20, $0xb8;
	[tilespmem:$0x16880] =	vst v63  }
0x4d: {  	s23 =	simm.s32 $0xA;
	_ =	swait.ge [sflag:s18], $0x2800  }
0x4e: {  	s24 =	simm.s32 $0x14;
	s22 =	sadd.s32 $0x500, s15;
	[sflag:s18] =	ssyncset.done $0x0  }
.LBB2_4:
0x4f: {  	s25 =	sadd.s32 s23, s16  }
0x50: {  	[sflag:s18] =	ssyncadd.s32 $0xFFFFD800;
	s23 =	smov.u32 s24;
	s26 =	sadd.s32 $0xA, s24  }
0x51: {  	[tilespmem:s19], [sflag:$0x1] =	stream.linear.gather [hbm4b:s25+s3], $0x50, $0x38;
	[tilespmem:$0x16880] =	vst v63  }
0x52: {  	p0 =	sne.s32 s24, $0x4D8;
	_ =	swait.ge [sflag:s18], $0x50  }
0x53: {  	[sflag:s18] =	ssyncset.done $0x0  }
0x54: {  	[sflag:s18] =	ssyncadd.s32 $0xFFFFFFB0  }
0x55: {  	[tilespmem:s3], [sflag:$0x1] =	stream.linear.gather [hbm4b:s22+s3], $0x2800, $0x38;
	[tilespmem:$0x16880] =	vst v63  }
0x56: {  	_ =	swait.ge [sflag:s18], $0x2800  }
.Ltmp1:
0x57: {  	[sflag:s18] =	ssyncset.done $0x0;
	(pc) =	sbr.rel @p0 .LBB2_4-.Ltmp1, $4  }
0x58: {  	[sflag:s18] =	ssyncadd.s32 $0xFFFFD800  }
0x59: {  	[spmem:s2] =	stream.indirect.scatter.add.f32 [tilespmem:s3], [sflag:$0x1], $0x80, s19, s20, $0xb8;
	[tilespmem:$0x16880] =	vst v63  }
0x5a: {  	_ =	swait.ge [sflag:s18], $0x2800  }
0x5b: {  	s24 =	smov.u32 s26;
	s22 =	sadd.s32 $0x500, s22;
	[sflag:s18] =	ssyncset.done $0x0  }
0x5c: {  	s23 =	sadd.s32 s23, s16;
	[sflag:s18] =	ssyncadd.s32 $0xFFFFD800  }
0x5d: {  	[tilespmem:s19], [sflag:$0x1] =	stream.linear.gather [hbm4b:s23+s3], $0x50, $0x38;
	[tilespmem:$0x16880] =	vst v63  }
0x5e: {  	_ =	swait.ge [sflag:s18], $0x50  }
0x5f: {  	[sflag:s18] =	ssyncset.done $0x0  }
0x60: {  	[sflag:s18] =	ssyncadd.s32 $0xFFFFFFB0  }
0x61: {  	[tilespmem:s3], [sflag:$0x1] =	stream.linear.gather [hbm4b:s22+s3], $0x2800, $0x38;
	[tilespmem:$0x16880] =	vst v63  }
0x62: {  	_ =	swait.ge [sflag:s18], $0x2800  }
0x63: {  	[sflag:s18] =	ssyncset.done $0x0  }
0x64: {  	[sflag:s18] =	ssyncadd.s32 $0xFFFFD800  }
0x65: {  	[spmem:s2] =	stream.indirect.scatter.add.f32 [tilespmem:s3], [sflag:$0x1], $0x80, s19, s20, $0xb8;
	[tilespmem:$0x16880] =	vst v63  }
0x66: {  	_ =	swait.ge [sflag:s18], $0x2800  }
0x67: {  	[sflag:s18] =	ssyncset.done $0x0  }
0x68: {  	s31 =	sshll.u32 s0, $0x6;
	[sflag:s18] =	ssyncadd.s32 $0xFFFFD800  }
0x69: {  	s23 =	sshrl.u32 s4, $0x3;
	s22 =	sor.u32 $0x1C01, s31;
	[bflag:$0x0] =	sbarrier.arrive $0xFFFF  }
0x6a: {  	[hbm:s5], [sflag:s22] =	dma.local [spmem:s23], $0x2800  }
0x6b: {  	_ =	swait.ge [sflag:s18], $0x2800  }
0x6c: {  	[sflag:s18] =	ssyncset.done $0x0  }
0x6d: {  	[sflag:s18] =	ssyncadd.s32 $0xFFFFD800  }
0x6e: {  	s24 =	simm.s32 $0x0;
	s25 =	simm.s32 $0x200;
	[bflag:$0x0] =	sbarrier.arrive $0xFFFF  }
.LBB2_6:
0x6f: {  	p0 =	sne.s32 s25, $0x9E00;
	[tilespmem:s24+$0x70] =	vst v0  }
0x70: {  	[tilespmem:s24+$0x0] =	vst v0  }
0x71: {  	[tilespmem:s24+$0x10] =	vst v0  }
.Ltmp2:
0x72: {  	[tilespmem:s24+$0x20] =	vst v0;
	(pc) =	sbr.rel @p0 .LBB2_6-.Ltmp2, $4  }
0x73: {  	[tilespmem:s24+$0x30] =	vst v0  }
0x74: {  	[tilespmem:s24+$0x40] =	vst v0  }
0x75: {  	[tilespmem:s24+$0x50] =	vst v0  }
0x76: {  	[tilespmem:s24+$0x60] =	vst v0;
	s24 =	sshra.s32 s25, $0x2;
	s25 =	sadd.s32 $0x200, s25  }
0x77: {  	[tilespmem:s24+$0x70] =	vst v0  }
0x78: {  	[tilespmem:s24+$0x0] =	vst v0  }
0x79: {  	[tilespmem:s24+$0x10] =	vst v0  }
0x7a: {  	[tilespmem:s24+$0x20] =	vst v0  }
0x7b: {  	[tilespmem:s24+$0x30] =	vst v0  }
0x7c: {  	[tilespmem:s24+$0x40] =	vst v0  }
0x7d: {  	[tilespmem:s24+$0x50] =	vst v0  }
0x7e: {  	[tilespmem:s24+$0x60] =	vst v0;
	s30 =	simm.s32 $0x0  }
0x7f: {  	[spmem:s4] =	stream.linear.scatter [tilespmem:s30], [sflag:$0x1], $0x2800, $0x38;
	[tilespmem:$0x16880] =	vst v63  }
0x80: {  	_ =	swait.ge [sflag:s18], $0x2800  }
0x81: {  	[sflag:s18] =	ssyncset.done $0x0  }
0x82: {  	[sflag:s18] =	ssyncadd.s32 $0xFFFFD800  }
0x83: {  	[spmem:s8] =	stream.linear.scatter [tilespmem:s30], [sflag:$0x1], $0x2800, $0x38;
	[tilespmem:$0x16880] =	vst v63  }
0x84: {  	_ =	swait.ge [sflag:s18], $0x2800  }
0x85: {  	[sflag:s18] =	ssyncset.done $0x0  }
0x86: {  	[sflag:s18] =	ssyncadd.s32 $0xFFFFD800  }
0x87: {  	[spmem:s9] =	stream.linear.scatter [tilespmem:s30], [sflag:$0x1], $0x2800, $0x38;
	[tilespmem:$0x16880] =	vst v63  }
0x88: {  	_ =	swait.ge [sflag:s18], $0x2800  }
0x89: {  	[sflag:s18] =	ssyncset.done $0x0  }
0x8a: {  	[sflag:s18] =	ssyncadd.s32 $0xFFFFD800  }
0x8b: {  	[spmem:s10] =	stream.linear.scatter [tilespmem:s30], [sflag:$0x1], $0x2800, $0x38;
	[tilespmem:$0x16880] =	vst v63  }
0x8c: {  	_ =	swait.ge [sflag:s18], $0x2800  }
0x8d: {  	[sflag:s18] =	ssyncset.done $0x0  }
0x8e: {  	[sflag:s18] =	ssyncadd.s32 $0xFFFFD800  }
0x8f: {  	[spmem:s11] =	stream.linear.scatter [tilespmem:s30], [sflag:$0x1], $0x2800, $0x38;
	[tilespmem:$0x16880] =	vst v63  }
0x90: {  	_ =	swait.ge [sflag:s18], $0x2800  }
0x91: {  	[sflag:s18] =	ssyncset.done $0x0  }
0x92: {  	[sflag:s18] =	ssyncadd.s32 $0xFFFFD800  }
0x93: {  	[spmem:s12] =	stream.linear.scatter [tilespmem:s30], [sflag:$0x1], $0x2800, $0x38;
	[tilespmem:$0x16880] =	vst v63  }
0x94: {  	_ =	swait.ge [sflag:s18], $0x2800  }
0x95: {  	[sflag:s18] =	ssyncset.done $0x0  }
0x96: {  	[sflag:s18] =	ssyncadd.s32 $0xFFFFD800  }
0x97: {  	[spmem:s13] =	stream.linear.scatter [tilespmem:s30], [sflag:$0x1], $0x2800, $0x38;
	[tilespmem:$0x16880] =	vst v63  }
0x98: {  	_ =	swait.ge [sflag:s18], $0x2800  }
0x99: {  	[sflag:s18] =	ssyncset.done $0x0  }
0x9a: {  	[sflag:s18] =	ssyncadd.s32 $0xFFFFD800  }
0x9b: {  	[spmem:s14] =	stream.linear.scatter [tilespmem:s30], [sflag:$0x1], $0x2800, $0x38;
	[tilespmem:$0x16880] =	vst v63  }
0x9c: {  	_ =	swait.ge [sflag:s18], $0x2800  }
0x9d: {  	[sflag:s18] =	ssyncset.done $0x0  }
0x9e: {  	[sflag:s18] =	ssyncadd.s32 $0xFFFFD800  }
0x9f: {  	s31 =	sadd.s32 $0x0, s16;
	[bflag:$0x0] =	sbarrier.arrive $0xFFFF  }
0xa0: {  	[tilespmem:s19], [sflag:$0x1] =	stream.linear.gather [hbm4b:s31+s3], $0x50, $0x38;
	[tilespmem:$0x16880] =	vst v63  }
0xa1: {  	_ =	swait.ge [sflag:s18], $0x50  }
0xa2: {  	[sflag:s18] =	ssyncset.done $0x0  }
0xa3: {  	[sflag:s18] =	ssyncadd.s32 $0xFFFFFFB0  }
0xa4: {  	[tilespmem:s3], [sflag:$0x1] =	stream.linear.gather [hbm4b:s17+s3], $0x2800, $0x38;
	[tilespmem:$0x16880] =	vst v63  }
0xa5: {  	_ =	swait.ge [sflag:s18], $0x2800  }
0xa6: {  	[sflag:s18] =	ssyncset.done $0x0  }
0xa7: {  	[sflag:s18] =	ssyncadd.s32 $0xFFFFD800  }
0xa8: {  	[spmem:s2] =	stream.indirect.scatter.add.f32 [tilespmem:s3], [sflag:$0x1], $0x80, s19, s20, $0xb8;
	[tilespmem:$0x16880] =	vst v63  }
0xa9: {  	s25 =	simm.s32 $0xA;
	_ =	swait.ge [sflag:s18], $0x2800  }
0xaa: {  	s26 =	simm.s32 $0x14;
	s24 =	sadd.s32 $0x500, s17;
	[sflag:s18] =	ssyncset.done $0x0  }
.LBB2_8:
0xab: {  	s28 =	sadd.s32 s25, s16  }
0xac: {  	[sflag:s18] =	ssyncadd.s32 $0xFFFFD800;
	s25 =	smov.u32 s26;
	s29 =	sadd.s32 $0xA, s26  }
0xad: {  	[tilespmem:s19], [sflag:$0x1] =	stream.linear.gather [hbm4b:s28+s3], $0x50, $0x38;
	[tilespmem:$0x16880] =	vst v63  }
0xae: {  	p0 =	sne.s32 s26, $0x4D8;
	_ =	swait.ge [sflag:s18], $0x50  }
0xaf: {  	[sflag:s18] =	ssyncset.done $0x0  }
0xb0: {  	[sflag:s18] =	ssyncadd.s32 $0xFFFFFFB0  }
0xb1: {  	[tilespmem:s3], [sflag:$0x1] =	stream.linear.gather [hbm4b:s24+s3], $0x2800, $0x38;
	[tilespmem:$0x16880] =	vst v63  }
0xb2: {  	_ =	swait.ge [sflag:s18], $0x2800  }
.Ltmp3:
0xb3: {  	[sflag:s18] =	ssyncset.done $0x0;
	(pc) =	sbr.rel @p0 .LBB2_8-.Ltmp3, $4  }
0xb4: {  	[sflag:s18] =	ssyncadd.s32 $0xFFFFD800  }
0xb5: {  	[spmem:s2] =	stream.indirect.scatter.add.f32 [tilespmem:s3], [sflag:$0x1], $0x80, s19, s20, $0xb8;
	[tilespmem:$0x16880] =	vst v63  }
0xb6: {  	_ =	swait.ge [sflag:s18], $0x2800  }
0xb7: {  	s26 =	smov.u32 s29;
	s24 =	sadd.s32 $0x500, s24;
	[sflag:s18] =	ssyncset.done $0x0  }
0xb8: {  	s25 =	sadd.s32 s25, s16;
	[sflag:s18] =	ssyncadd.s32 $0xFFFFD800  }
0xb9: {  	[tilespmem:s19], [sflag:$0x1] =	stream.linear.gather [hbm4b:s25+s3], $0x50, $0x38;
	[tilespmem:$0x16880] =	vst v63  }
0xba: {  	_ =	swait.ge [sflag:s18], $0x50  }
0xbb: {  	[sflag:s18] =	ssyncset.done $0x0  }
0xbc: {  	[sflag:s18] =	ssyncadd.s32 $0xFFFFFFB0  }
0xbd: {  	[tilespmem:s3], [sflag:$0x1] =	stream.linear.gather [hbm4b:s24+s3], $0x2800, $0x38;
	[tilespmem:$0x16880] =	vst v63  }
0xbe: {  	_ =	swait.ge [sflag:s18], $0x2800  }
0xbf: {  	[sflag:s18] =	ssyncset.done $0x0  }
0xc0: {  	[sflag:s18] =	ssyncadd.s32 $0xFFFFD800  }
0xc1: {  	[spmem:s2] =	stream.indirect.scatter.add.f32 [tilespmem:s3], [sflag:$0x1], $0x80, s19, s20, $0xb8;
	[tilespmem:$0x16880] =	vst v63  }
0xc2: {  	_ =	swait.ge [sflag:s18], $0x2800  }
0xc3: {  	[sflag:s18] =	ssyncset.done $0x0  }
0xc4: {  	s21 =	sadd.s32 $0x1, s21;
	[sflag:s18] =	ssyncadd.s32 $0xFFFFD800  }
0xc5: {  	p0 =	sne.s32 s21, s7;
	[bflag:$0x0] =	sbarrier.arrive $0xFFFF  }
0xc6: {  	[hbm:s6], [sflag:s22] =	dma.local [spmem:s23], $0x2800  }
.Ltmp4:
0xc7: {  	_ =	swait.ge [sflag:s18], $0x2800;
	(pc) =	sbr.rel @p0 .LBB2_1-.Ltmp4, $3  }
0xc8: {  	[sflag:s18] =	ssyncset.done $0x0  }
0xc9: {  	[sflag:s18] =	ssyncadd.s32 $0xFFFFD800  }
0xca: {  	[bflag:$0x0] =	sbarrier.arrive $0xFFFF;
	_ =	sdelay $0x1  }
0xcb: {  	_ =	sfence.sel $0x180000  }
0xcc: {  	[bflag:$0x0] =	sbarrier.arrive $0xFFFF  }
0xcd: {  	p0 =	sne.s32 s0, $0x0;
	_ =	strace $0x9000004A  }
0xce: {  	s0 =	sadd.s32 @!p0 $0x100000, s1;
	[bflag:$0x2] =	sbarrier.arrive $0xFFFF  }
0xcf: {  	[sflag:s0] =	ssyncadd.tile.s32 @!p0 $0x1;
	_ =	shalt  }
.Lfunc_end2:
_tile_overlayer_lowered:
.L_overlay_start_2:
0xd0: {  	(tag) =	ssettag $0x2  }
0xd1: {  	s0 =	rddreg [dreg:$0x0];
	s2 =	stileid.u32  }
0xd2: {  	s1 =	rddreg [dreg:$0x1];
	p0 =	sne.s32 s2, $0x0  }
0xd3: {  	s3 =	rddreg [dreg:$0x2];
	[bflag:$0x3] =	sbarrier.arrive $0xFFFF;
	s2 =	simm.s32 @!p0 $0x1C01  }
0xd4: {  	[timem:s3], [sflag:s2] =	dma.local @!p0 [hbm:s0], s1  }
0xd5: {  	s0 =	simm.s32 @!p0 $0x1  }
0xd6: {  	_ =	swait.ge @!p0 [sflag:s0], s1  }
0xd7: {  	s1 =	ssub.s32 @!p0 $0x0, s1;
	[sflag:s0] =	ssyncset.done @!p0 $0x0  }
0xd8: {  	[sflag:s0] =	ssyncadd.s32 @!p0 s1  }
0xd9: {  	[bflag:$0x3] =	sbarrier.arrive $0xFFFF  }
0xda: {  	_ =	shalt  }

// kernel: kernel.7.cloned.1.call-start
scs
__scs_entry_jumppad:
0x0: {  	(pc) =	sbr.rel $0x88, $3  }
0x1: {  	(tag) =	ssettag $0x0;
	lr =	simm.s32 $0x1  }
0x2: {  	[smem:$0x3F8E] =	sst lr;
	_ =	strace $0xD0000000  }
0x3: {  	_ = 	snop  }
0x4: {  	_ = 	snop  }
0x5: {  	_ = 	snop  }
0x6: {  	_ = 	snop  }
0x7: {  	_ = 	snop  }
__scs_overlays_trampoline_lowered:
0x8: {  	[smem:$0x3F9D] =	sst s0  }
0x9: {  	[smem:$0x3F9E] =	sst s1  }
0xa: {  	[smem:$0x3F9F] =	sst s2  }
0xb: {  	[smem:$0x3FA0] =	sst s3  }
0xc: {  	[smem:$0x3FA1] =	sst s4  }
0xd: {  	[smem:$0x3FA2] =	sst s5  }
0xe: {  	[smem:$0x3FA3] =	sst s6  }
0xf: {  	[smem:$0x3FA4] =	sst s7  }
0x10: {  	[smem:$0x3FA5] =	sst s8  }
0x11: {  	[smem:$0x3FA6] =	sst s9;
	s0 =	simm.s32 @!p0 $0x0  }
0x12: {  	s1 =	sld [smem:$0x3F8C];
	s0 =	simm.s32 @p0 $0x1  }
0x13: {  	[smem:$0x3FA7] =	sst s0;
	s0 =	simm.s32 @!p1 $0x0  }
0x14: {  	s2 =	sld [smem:$0x3F8B];
	s0 =	simm.s32 @p1 $0x1  }
0x15: {  	[smem:$0x3FA8] =	sst s0;
	s0 =	simm.s32 @!p2 $0x0  }
0x16: {  	s3 =	sld [smem:$0x3FDB];
	s0 =	simm.s32 @p2 $0x1  }
0x17: {  	s4 =	simm.s32 $0x1BF5;
	[smem:$0x3FAA] =	sst s0  }
0x18: {  	s0 =	sld [smem:$0x3F8D];
	_ =	swait.ge [sflag:s4], $0x0  }
0x19: {  	s7 =	sld [smem:$0x3F8E]  }
0x1a: {  	s8 =	sadd.s32 $0xFFFFE003, lr  }
0x1b: {  	s9 =	sadd.s32 $0xFFFFFEF7, lr;
	s5 =	simm.s32 $0xFFFFFFFF;
	p2 =	slt.u32 s8, $0xFFFFF086  }
0x1c: {  	p1 =	slt.u32 s9, $0xF7A;
	s5 =	simm.s32 @!p2 $0x0  }
0x1d: {  	s5 =	simm.s32 @p1 $0x1;
	p0 =	seq.s32 s7, s2  }
0x1e: {  	s7 =	smul.u32 @!p0 $0xF7A, s2;
	p2 =	seq.s32 @!p0 s5, $0x0  }
0x1f: {  	s9 =	smul.u32 $0xF7A, s1;
	s8 =	simm.s32 @!p0 $0x1BF5;
	p2 =	por !p2, p0  }
0x20: {  	[sflag:s8] =	ssyncset.s32 @!p0 $0xFFFFF086;
	s6 =	sadd.s32 @!p0 s3, s7;
	s7 =	simm.s32 @!p0 $0x108  }
0x21: {  	s3 =	sadd.s32 s3, s9;
	s6 =	sadd.s32 @!p0 $0x88, s6;
	s7 =	simm.s32 @p2 $0x1082  }
0x22: {  	[simem:s7], [sflag:s8] =	dma.local @!p0 [hbm:s6], $0xF7A  }
0x23: {  	s9 =	sor.u32 $0xD0000000, s2;
	s6 =	simm.s32 $0x108;
	_ =	swait.ge @!p0 [sflag:s8], $0x0  }
0x24: {  	s3 =	sadd.s32 $0x88, s3;
	s6 =	simm.s32 @!p1 $0x1082;
	[sflag:s4] =	ssyncset.s32 $0xFFFFF086  }
0x25: {  	[simem:s6], [sflag:s4] =	dma.local [hbm:s3], $0xF7A  }
0x26: {  	[smem:$0x3F8E] =	sst s1;
	(tag) =	ssettag s2;
	_ =	strace s9  }
0x27: {  	s1 =	sld [smem:$0x3F9E]  }
0x28: {  	s2 =	sld [smem:$0x3F9F]  }
0x29: {  	s4 =	sld [smem:$0x3FA1]  }
0x2a: {  	p0 =	seq.s32 s5, $0x0;
	s5 =	sld [smem:$0x3FA2]  }
0x2b: {  	s6 =	sld [smem:$0x3FA3]  }
0x2c: {  	s7 =	sld [smem:$0x3FA4]  }
0x2d: {  	s3 =	simm.s32 $0x108;
	s8 =	sld [smem:$0x3FA5]  }
0x2e: {  	s3 =	simm.s32 @!p0 $0x1082;
	s9 =	sld [smem:$0x3FA6]  }
0x2f: {  	lr =	sadd.s32 s0, s3;
	s0 =	sld [smem:$0x3F9D]  }
0x30: {  	s3 =	sld [smem:$0x3FA0]  }
0x31: {  	[smem:$0x3FA9] =	sst s10  }
0x32: {  	s10 =	sld [smem:$0x3FA7];
	_ =	sdelay $0x3  }
0x33: {  	p0 =	seq.s32 s10, $0x1;
	s10 =	sld [smem:$0x3FA9];
	_ =	sdelay $0x3  }
0x34: {  	[smem:$0x3FA9] =	sst s10  }
0x35: {  	s10 =	sld [smem:$0x3FA8];
	_ =	sdelay $0x3  }
0x36: {  	p1 =	seq.s32 s10, $0x1;
	s10 =	sld [smem:$0x3FA9];
	_ =	sdelay $0x3  }
0x37: {  	[smem:$0x3FA9] =	sst s10  }
0x38: {  	s10 =	sld [smem:$0x3FAA]  }
0x39: {  	_ = 	snop;
	(pc) =	sbr.ind lr, $3  }
0x3a: {  	_ = 	snop  }
0x3b: {  	_ = 	snop  }
0x3c: {  	p2 =	seq.s32 s10, $0x1;
	s10 =	sld [smem:$0x3FA9]  }
0x3d: {  	_ =	shalt  }
0x3e: {  	_ =	shalt  }
0x3f: {  	_ =	shalt  }
0x40: {  	_ =	shalt  }
0x41: {  	_ =	shalt  }
0x42: {  	_ =	shalt  }
0x43: {  	_ =	shalt  }
0x44: {  	_ =	shalt  }
0x45: {  	_ =	shalt  }
0x46: {  	_ =	shalt  }
0x47: {  	_ =	shalt  }
0x48: {  	_ =	shalt  }
0x49: {  	_ =	shalt  }
0x4a: {  	_ =	shalt  }
0x4b: {  	_ =	shalt  }
0x4c: {  	_ =	shalt  }
0x4d: {  	_ =	shalt  }
0x4e: {  	_ =	shalt  }
0x4f: {  	_ =	shalt  }
0x50: {  	_ =	shalt  }
0x51: {  	_ =	shalt  }
0x52: {  	_ =	shalt  }
0x53: {  	_ =	shalt  }
0x54: {  	_ =	shalt  }
0x55: {  	_ =	shalt  }
0x56: {  	_ =	shalt  }
0x57: {  	_ =	shalt  }
0x58: {  	_ =	shalt  }
0x59: {  	_ =	shalt  }
0x5a: {  	_ =	shalt  }
0x5b: {  	_ =	shalt  }
0x5c: {  	_ =	shalt  }
0x5d: {  	_ =	shalt  }
0x5e: {  	_ =	shalt  }
0x5f: {  	_ =	shalt  }
0x60: {  	_ =	shalt  }
0x61: {  	_ =	shalt  }
0x62: {  	_ =	shalt  }
0x63: {  	_ =	shalt  }
0x64: {  	_ =	shalt  }
0x65: {  	_ =	shalt  }
0x66: {  	_ =	shalt  }
0x67: {  	_ =	shalt  }
0x68: {  	_ =	shalt  }
0x69: {  	_ =	shalt  }
0x6a: {  	_ =	shalt  }
0x6b: {  	_ =	shalt  }
0x6c: {  	_ =	shalt  }
0x6d: {  	_ =	shalt  }
0x6e: {  	_ =	shalt  }
0x6f: {  	_ =	shalt  }
0x70: {  	_ =	shalt  }
0x71: {  	_ =	shalt  }
0x72: {  	_ =	shalt  }
0x73: {  	_ =	shalt  }
0x74: {  	_ =	shalt  }
0x75: {  	_ =	shalt  }
0x76: {  	_ =	shalt  }
0x77: {  	_ =	shalt  }
0x78: {  	_ =	shalt  }
0x79: {  	_ =	shalt  }
0x7a: {  	_ =	shalt  }
0x7b: {  	_ =	shalt  }
0x7c: {  	_ =	shalt  }
0x7d: {  	_ =	shalt  }
0x7e: {  	_ =	shalt  }
0x7f: {  	_ =	shalt  }
0x80: {  	_ =	shalt  }
0x81: {  	_ =	shalt  }
0x82: {  	_ =	shalt  }
0x83: {  	_ =	shalt  }
0x84: {  	_ =	shalt  }
0x85: {  	_ =	shalt  }
0x86: {  	_ =	shalt  }
0x87: {  	_ =	shalt  }
.Lfunc_end0:
.L_simem_size_0:
called_computation_lowered:
.L_overlay_start_0:
0x88: {  	s2 =	sld [smem:$0x3FD9]  }
0x89: {  	s3 =	sld [smem:$0x3FFE];
	_ =	sdelay $0x1  }
0x8a: {  	s1 =	srdreg.scid  }
0x8b: {  	s0 =	sand.u32 $0x1, s1  }
0x8c: {  	s17 =	sshll.u32 s0, $0xA;
	s2 =	sadd.s32 s3, s2  }
0x8d: {  	s2 =	sadd.s32 s2, s17  }
0x8e: {  	[smem:$0x3FB5] =	sst s2  }
0x8f: {  	_ = 	snop  }
0x90: {  	s2 =	sld [smem:$0x3FC8]  }
0x91: {  	s18 =	sld [smem:$0x3FC7]  }
0x92: {  	s4 =	sld [smem:$0x3FD0];
	(tm) =	ssettm $0x1  }
0x93: {  	s5 =	sld [smem:$0x3FFB];
	_ =	sdelay $0x3  }
0x94: {  	_ =	strace s5  }
0x95: {  	s5 =	sld [smem:$0x3FFC];
	_ =	sdelay $0x3  }
0x96: {  	_ =	strace s5  }
0x97: {  	s5 =	sld [smem:$0x3FFD];
	_ =	sdelay $0x3  }
0x98: {  	_ =	strace s5  }
0x99: {  	_ =	strace $0x8FFFFFFF  }
0x9a: {  	s19 =	sld [smem:$0x3FDB];
	_ =	sdelay $0x1  }
0x9b: {  	s6 =	simm.s32 $_scs_section_size  }
0x9c: {  	s7 =	simm.s32 $_size__tile_overlayer_lowered;
	s8 =	simm.s32 $_tile_overlayer_lowered  }
0x9d: {  	s22 =	simm.s32 $0x1BFF;
	s21 =	sshll.u32 s8, $0x1;
	s5 =	sadd.s32 s6, s19  }
0x9e: {  	s9 =	simm.s32 $0x0;
	s20 =	sshll.u32 s7, $0x1;
	s7 =	sadd.s32 s21, s5  }
0x9f: {  	[timem:s9], [sflag:s22] =	dma.local [hbm:s7], s20  }
0xa0: {  	_ =	swait.ge [sflag:s22], s20  }
0xa1: {  	s6 =	ssub.s32 $0x0, s20;
	[sflag:s22] =	ssyncset.done $0x0  }
0xa2: {  	[sflag:s22] =	ssyncadd.s32 s6;
	_ =	sdelay $0x1  }
0xa3: {  	s23 =	simm.s32 $0x1B8B  }
0xa4: {  	_ =	swait.ge [sflag:s23], $0x1  }
0xa5: {  	[sflag:s23] =	ssyncset.done $0x0  }
0xa6: {  	s25 =	simm.s32 $0x1B8E;
	s24 =	sld [smem:$0x3FFE];
	[sflag:s23] =	ssyncadd.s32 $0xFFFFFFFF  }
0xa7: {  	s26 =	simm.s32 $execute0_lowered;
	[smem:$0x3FD2] =	sst s25  }
0xa8: {  	s7 =	sshll.u32 s26, $0x1;
	_ =	strace $0x80000046;
	[dreg:$0x1] =	wrdreg $0xFFFFFFFF  }
0xa9: {  	s28 =	simm.s32 $_size_execute0_lowered;
	s5 =	sadd.s32 s5, s7;
	[dreg:$0x0] =	wrdreg $0x0  }
0xaa: {  	s7 =	sshll.u32 s28, $0x1;
	[dreg:$0x2] =	wrdreg s5  }
0xab: {  	[dreg:$0x3] =	wrdreg s7  }
0xac: {  	[dreg:$0x4] =	wrdreg $0xC0  }
0xad: {  	_ =	task [dreg:s9], $0x5FFFF  }
0xae: {  	[dreg:$0x1] =	wrdreg $0xFFFFFFFF  }
0xaf: {  	[dreg:$0x0] =	wrdreg $0x60  }
0xb0: {  	[dreg:$0x2] =	wrdreg s4  }
0xb1: {  	[dreg:$0x3] =	wrdreg s24  }
0xb2: {  	[dreg:$0x4] =	wrdreg s2  }
0xb3: {  	[dreg:$0x5] =	wrdreg s18  }
0xb4: {  	[dreg:$0x6] =	wrdreg $0x9  }
0xb5: {  	_ =	task.clear_ibuf [dreg:s9], $0x7FFFF;
	_ =	strace $0x90000046  }
0xb6: {  	s29 =	simm.s32 $0x9;
	_ =	strace $0x80000048  }
0xb7: {  	_ =	swait.ge [sflag:s29], $0x1  }
0xb8: {  	[sflag:s29] =	ssyncadd.s32 $0xFFFFFFFF  }
0xb9: {  	_ =	strace $0x90000048  }
0xba: {  	_ =	sfence  }
0xbb: {  	s30 =	sld [smem:$0x0];
	_ =	sdelay $0x2  }
0xbc: {  	s31 =	sshll.u32 s1, $0xD;
	s1 =	sshrl.u32 s1, $0x2  }
0xbd: {  	s3 =	sand.u32 $0x4000, s31;
	s1 =	sadd.s32 s1, s30  }
0xbe: {  	s0 =	sor.u32 s3, s0;
	s1 =	sshll.u32 s1, $0x11  }
0xbf: {  	s0 =	sor.u32 s1, s0  }
0xc0: {  	s0 =	sadd.s32 $0x8F2B, s0  }
0xc1: {  	[sflag:s0] =	ssyncadd.remote.s32 $0x1  }
0xc2: {  	_ =	sfence.sel $0xFFFF  }
0xc3: {  	[dreg:$0x0] =	wrdreg $0xFFFFFFFF;
	(pc) =	sbr.abs _section_cstart, $3  }
0xc4: {  	[dreg:$0x1] =	wrdreg $0xFFFFFFFF  }
0xc5: {  	_ =	task.clear_ibuf [dreg:s9], $0x2FFFF;
	_ =	strace $0x9FFFFFFF  }
0xc6: {  	(tm) =	ssettm $0x7FFFFFFF  }
0xc7: {  	_ =	shalt  }
tec
execute0_lowered:
.L_overlay_start_1:
0x0: {  	(tag) =	ssettag $0x1  }
0x1: {  	s1 =	rddreg [dreg:$0x0]  }
0x2: {  	s6 =	rddreg [dreg:$0x1]  }
0x3: {  	s11 =	rddreg [dreg:$0x2]  }
0x4: {  	s10 =	rddreg [dreg:$0x3]  }
0x5: {  	s0 =	rddreg [dreg:$0x4]  }
0x6: {  	s2 =	stileid.u32;
	s4 =	srdreg.scid;
	s3 =	simm.s32 $0x0  }
0x7: {  	s14 =	simm.s32 $0x50;
	s15 =	simm.s32 $0x100;
	s16 =	simm.s32 $0x2900  }
0x8: {  	s17 =	simm.s32 $0x5100;
	s18 =	simm.s32 $0x1;
	s7 =	smul.u32 $0x4E200, s2  }
0x9: {  	s19 =	simm.s32 $0x0;
	s5 =	sand.u32 $0x1, s4;
	s9 =	smul.u32 $0x4E20, s2  }
0xa: {  	[smem:$0x7FF] =	sst s3;
	s4 =	sadd.s32 $0x4800, s6;
	s8 =	smul.u32 $0x27100, s5  }
0xb: {  	_ =	strace $0x80000047;
	s12 =	ssub.s32 $0x2, s5;
	s13 =	smul.u32 $0x2710, s5  }
0xc: {  	s5 =	sadd.s32 $0x2BA00, s6;
	s6 =	sadd.s32 s7, s6;
	s29 =	sshrl.u32 s12, $0x1  }
0xd: {  	s7 =	ssub.s32 s12, s29;
	s30 =	sadd.s32 s8, s6;
	s31 =	sadd.s32 s13, s9  }
0xe: {  	s12 =	simm.s32 $0x2;
	s6 =	smax.u32 s7, $0x1;
	s7 =	sadd.s32 $0x52C00, s30  }
0xf: {  	s13 =	sshrl.u32 s31, $0x3;
	s8 =	sadd.s32 $0x534C00, s30;
	s9 =	sadd.s32 $0xA16C00, s30  }
0x10: {  	s10 =	sadd.s32 s13, s10;
	s11 =	sadd.s32 s13, s11;
	s13 =	simm.s32 $0x80  }
.LBB2_1:
0x11: {  	[tilespmem:s3], [sflag:$0x2] =	stream.linear.gather [hbm4b:s11+s3], $0x50, $0x38;
	[tilespmem:$0x7900] =	vst v63  }
0x12: {  	_ =	swait.ge [sflag:s12], $0x50  }
0x13: {  	[sflag:s12] =	ssyncset.done $0x0  }
0x14: {  	[sflag:s12] =	ssyncadd.s32 $0xFFFFFFB0  }
0x15: {  	[tilespmem:s13], [sflag:$0x2] =	stream.linear.gather [hbm4b:s10+s3], $0x50, $0x38;
	[tilespmem:$0x7900] =	vst v63  }
0x16: {  	_ =	swait.ge [sflag:s12], $0x50  }
0x17: {  	[sflag:s12] =	ssyncset.done $0x0  }
0x18: {  	[sflag:s12] =	ssyncadd.s32 $0xFFFFFFB0  }
0x19: {  	[tilespmem:s15], [sflag:$0x1] =	stream.indirect.gather [hbm4b:s1+s14], $0x80, s3, s14, $0xb8;
	[tilespmem:$0x7900] =	vst v63  }
0x1a: {  	_ = 	snop  }
0x1b: {  	[tilespmem:s16], [sflag:$0x1] =	stream.indirect.gather [hbm4b:s4+s14], $0x80, s13, s14, $0xb8;
	[tilespmem:$0x7900] =	vst v63  }
0x1c: {  	_ = 	snop  }
0x1d: {  	[tilespmem:s17], [sflag:$0x1] =	stream.indirect.gather [hbm4b:s5+s14], $0x80, s13, s14, $0xb8;
	[tilespmem:$0x7900] =	vst v63  }
0x1e: {  	_ =	swait.ge [sflag:s18], $0x2800  }
0x1f: {  	[sflag:s18] =	ssyncset.done $0x0  }
0x20: {  	[sflag:s18] =	ssyncadd.s32 $0xFFFFD800  }
0x21: {  	_ =	swait.ge [sflag:s18], $0x2800  }
0x22: {  	[sflag:s18] =	ssyncset.done $0x0  }
0x23: {  	[sflag:s18] =	ssyncadd.s32 $0xFFFFD800  }
0x24: {  	_ =	swait.ge [sflag:s18], $0x2800  }
0x25: {  	[sflag:s18] =	ssyncset.done $0x0  }
0x26: {  	s20 =	sadd.s32 $0x0, s7;
	[sflag:s18] =	ssyncadd.s32 $0xFFFFD800  }
0x27: {  	[hbm4b:s20+s3] =	stream.linear.scatter [tilespmem:s15], [sflag:$0x2], $0x2800, $0x38;
	[tilespmem:$0x7900] =	vst v63  }
0x28: {  	_ =	swait.ge [sflag:s12], $0x2800  }
0x29: {  	[sflag:s12] =	ssyncset.done $0x0  }
0x2a: {  	s30 =	sadd.s32 $0x0, s8;
	[sflag:s12] =	ssyncadd.s32 $0xFFFFD800  }
0x2b: {  	[hbm4b:s30+s3] =	stream.linear.scatter [tilespmem:s16], [sflag:$0x2], $0x2800, $0x38;
	[tilespmem:$0x7900] =	vst v63  }
0x2c: {  	_ =	swait.ge [sflag:s12], $0x2800  }
0x2d: {  	[sflag:s12] =	ssyncset.done $0x0  }
0x2e: {  	s31 =	sadd.s32 $0x0, s9;
	[sflag:s12] =	ssyncadd.s32 $0xFFFFD800  }
0x2f: {  	[hbm4b:s31+s3] =	stream.linear.scatter [tilespmem:s17], [sflag:$0x2], $0x2800, $0x38;
	[tilespmem:$0x7900] =	vst v63  }
0x30: {  	s21 =	smov.u32 s10;
	_ =	swait.ge [sflag:s12], $0x2800  }
0x31: {  	s22 =	smov.u32 s11;
	s20 =	simm.s32 $0x500;
	[sflag:s12] =	ssyncset.done $0x0  }
.LBB2_2:
0x32: {  	[sflag:s12] =	ssyncadd.s32 $0xFFFFD800  }
0x33: {  	s21 =	sadd.s32 $0xA, s21;
	s22 =	sadd.s32 $0xA, s22;
	s23 =	smov.u32 s20  }
0x34: {  	[tilespmem:s3], [sflag:$0x2] =	stream.linear.gather [hbm4b:s22+s3], $0x50, $0x38;
	[tilespmem:$0x7900] =	vst v63  }
0x35: {  	p0 =	sne.s32 s20, $0x26C00;
	s20 =	sadd.s32 $0x500, s20;
	_ =	swait.ge [sflag:s12], $0x50  }
0x36: {  	[sflag:s12] =	ssyncset.done $0x0  }
0x37: {  	[sflag:s12] =	ssyncadd.s32 $0xFFFFFFB0  }
0x38: {  	[tilespmem:s13], [sflag:$0x2] =	stream.linear.gather [hbm4b:s21+s3], $0x50, $0x38;
	[tilespmem:$0x7900] =	vst v63  }
0x39: {  	_ =	swait.ge [sflag:s12], $0x50  }
0x3a: {  	[sflag:s12] =	ssyncset.done $0x0  }
0x3b: {  	[sflag:s12] =	ssyncadd.s32 $0xFFFFFFB0  }
0x3c: {  	[tilespmem:s15], [sflag:$0x1] =	stream.indirect.gather [hbm4b:s1+s14], $0x80, s3, s14, $0xb8;
	[tilespmem:$0x7900] =	vst v63  }
0x3d: {  	_ = 	snop  }
0x3e: {  	[tilespmem:s16], [sflag:$0x1] =	stream.indirect.gather [hbm4b:s4+s14], $0x80, s13, s14, $0xb8;
	[tilespmem:$0x7900] =	vst v63  }
0x3f: {  	_ = 	snop  }
0x40: {  	[tilespmem:s17], [sflag:$0x1] =	stream.indirect.gather [hbm4b:s5+s14], $0x80, s13, s14, $0xb8;
	[tilespmem:$0x7900] =	vst v63  }
0x41: {  	_ =	swait.ge [sflag:s18], $0x2800  }
0x42: {  	[sflag:s18] =	ssyncset.done $0x0  }
0x43: {  	[sflag:s18] =	ssyncadd.s32 $0xFFFFD800  }
0x44: {  	_ =	swait.ge [sflag:s18], $0x2800  }
0x45: {  	[sflag:s18] =	ssyncset.done $0x0  }
0x46: {  	[sflag:s18] =	ssyncadd.s32 $0xFFFFD800  }
0x47: {  	_ =	swait.ge [sflag:s18], $0x2800  }
0x48: {  	[sflag:s18] =	ssyncset.done $0x0  }
0x49: {  	s24 =	sadd.s32 s23, s7;
	[sflag:s18] =	ssyncadd.s32 $0xFFFFD800  }
0x4a: {  	[hbm4b:s24+s3] =	stream.linear.scatter [tilespmem:s15], [sflag:$0x2], $0x2800, $0x38;
	[tilespmem:$0x7900] =	vst v63  }
0x4b: {  	_ =	swait.ge [sflag:s12], $0x2800  }
0x4c: {  	[sflag:s12] =	ssyncset.done $0x0  }
0x4d: {  	s24 =	sadd.s32 s23, s8;
	[sflag:s12] =	ssyncadd.s32 $0xFFFFD800  }
0x4e: {  	[hbm4b:s24+s3] =	stream.linear.scatter [tilespmem:s16], [sflag:$0x2], $0x2800, $0x38;
	[tilespmem:$0x7900] =	vst v63  }
0x4f: {  	_ =	swait.ge [sflag:s12], $0x2800  }
.Ltmp0:
0x50: {  	[sflag:s12] =	ssyncset.done $0x0;
	(pc) =	sbr.rel @p0 .LBB2_2-.Ltmp0, $4  }
0x51: {  	s23 =	sadd.s32 s23, s9;
	[sflag:s12] =	ssyncadd.s32 $0xFFFFD800  }
0x52: {  	[hbm4b:s23+s3] =	stream.linear.scatter [tilespmem:s17], [sflag:$0x2], $0x2800, $0x38;
	[tilespmem:$0x7900] =	vst v63  }
0x53: {  	_ =	swait.ge [sflag:s12], $0x2800  }
0x54: {  	[sflag:s12] =	ssyncset.done $0x0  }
0x55: {  	s19 =	sadd.s32 $0x1, s19  }
0x56: {  	p0 =	sne.s32 s19, s6  }
.Ltmp1:
0x57: {  	_ = 	snop;
	(pc) =	sbr.rel @p0 .LBB2_1-.Ltmp1, $2  }
0x58: {  	_ =	sdelay $0x2  }
0x59: {  	[sflag:s12] =	ssyncadd.s32 $0xFFFFD800  }
0x5a: {  	_ =	sfence.sel $0x180000  }
0x5b: {  	[bflag:$0x0] =	sbarrier.arrive $0xFFFF  }
0x5c: {  	p0 =	sne.s32 s2, $0x0;
	_ =	strace $0x90000047  }
0x5d: {  	s0 =	sadd.s32 @!p0 $0x100000, s0;
	[bflag:$0x2] =	sbarrier.arrive $0xFFFF  }
0x5e: {  	[sflag:s0] =	ssyncadd.tile.s32 @!p0 $0x1;
	_ =	shalt  }
.Lfunc_end2:
_tile_overlayer_lowered:
.L_overlay_start_2:
0x5f: {  	(tag) =	ssettag $0x2  }
0x60: {  	s0 =	rddreg [dreg:$0x0];
	s2 =	stileid.u32  }
0x61: {  	s1 =	rddreg [dreg:$0x1];
	p0 =	sne.s32 s2, $0x0  }
0x62: {  	s3 =	rddreg [dreg:$0x2];
	[bflag:$0x3] =	sbarrier.arrive $0xFFFF;
	s2 =	simm.s32 @!p0 $0x1C02  }
0x63: {  	[timem:s3], [sflag:s2] =	dma.local @!p0 [hbm:s0], s1  }
0x64: {  	s0 =	simm.s32 @!p0 $0x2  }
0x65: {  	_ =	swait.ge @!p0 [sflag:s0], s1  }
0x66: {  	s1 =	ssub.s32 @!p0 $0x0, s1;
	[sflag:s0] =	ssyncset.done @!p0 $0x0  }
0x67: {  	[sflag:s0] =	ssyncadd.s32 @!p0 s1  }
0x68: {  	[bflag:$0x3] =	sbarrier.arrive $0xFFFF  }
0x69: {  	_ =	shalt  }

</sc_bundles>
